<compile_context>
chip_gen: v7x
topology: tpu7x:2x2x1
jax: 0.10.2.dev20260603
libtpu: 0.0.44.dev20260713+nightly
codegen_flags: <defaults>
</compile_context>

<pallas_src>
import functools

import jax
import jax.numpy as jnp
from jax import lax
from jax.experimental import pallas as pl
from jax.experimental.pallas import tpu as pltpu
from jax.experimental.pallas import tpu_sc as plsc

BATCH = 4096
HIDDEN = 1024
NUM_CORES = 2
NUM_SUBCORES = 16
NUM_WORKERS = NUM_CORES * NUM_SUBCORES
B_PER_W = BATCH // NUM_WORKERS
CHUNK = 16
NBUF = 4
NCHUNK = B_PER_W // CHUNK


@functools.partial(
    pl.kernel,
    mesh=plsc.VectorSubcoreMesh(core_axis_name="c", subcore_axis_name="s"),
    compiler_params=pltpu.CompilerParams(use_tc_tiling_on_sc=True),
    out_type=jax.ShapeDtypeStruct((BATCH, HIDDEN), jnp.float32),
    scratch_types=[
        pltpu.VMEM((B_PER_W,), jnp.int32),
        pltpu.VMEM((NBUF, CHUNK, HIDDEN), jnp.float32),
        pltpu.SemaphoreType.DMA,
        pltpu.SemaphoreType.DMA,
        pltpu.SemaphoreType.DMA,
        pltpu.SemaphoreType.DMA,
    ],
)
def _gather_kernel(table_hbm, idx_hbm, out_hbm, idx_v, rows_v, g0, g1, o0, o1):
    wid = lax.axis_index("s") * NUM_CORES + lax.axis_index("c")
    base = wid * B_PER_W
    gsems = (g0, g1)
    osems = (o0, o1)

    def gather_copy(c):
        return pltpu.make_async_copy(
            table_hbm.at[idx_v.at[pl.ds(c * CHUNK, CHUNK)]],
            rows_v.at[c % NBUF],
            gsems[c % 2],
        )

    def out_copy(c):
        return pltpu.make_async_copy(
            rows_v.at[c % NBUF],
            out_hbm.at[pl.ds(base + c * CHUNK, CHUNK)],
            osems[c % 2],
        )

    pltpu.sync_copy(idx_hbm.at[pl.ds(base, B_PER_W)], idx_v)

    for c in range(min(NBUF - 1, NCHUNK)):
        gather_copy(c).start()
    for c in range(NCHUNK):
        gather_copy(c).wait()
        out_copy(c).start()
        nxt = c + NBUF - 1
        if nxt < NCHUNK:
            drain = nxt - NBUF
            if drain >= 0:
                out_copy(drain).wait()
            gather_copy(nxt).start()
    for c in range(max(NCHUNK - NBUF, 0), NCHUNK):
        out_copy(c).wait()


def kernel(labels, embedding_table):
    return _gather_kernel(embedding_table, labels.astype(jnp.int32))

# --- scband reference (transcript-rebuilt; emitter-appended) ---
"""Pipeline reference for scband-label-embedder-30751965839733 (READ-ONLY COPY).

The authoritative reference and input builder live on the scoring server;
editing this copy changes nothing except your own understanding.
"""

import jax, jax.numpy as jnp
import numpy as np

NUM_CLASSES = 1000
HIDDEN_SIZE = 1024
BATCH = 4096

def setup_inputs(seed: int = 0) -> dict:
    key = jax.random.key(seed)
    k_lab, k_tab = jax.random.split(key)
    labels = jax.random.randint(k_lab, (BATCH,), 0, NUM_CLASSES + 1, dtype=jnp.int64 if jax.config.jax_enable_x64 else jnp.int32)
    embedding_table = jax.random.normal(k_tab, (NUM_CLASSES + 1, HIDDEN_SIZE), dtype=jnp.float32)
    return {"labels": labels, "embedding_table": embedding_table}

def reference(labels, embedding_table):
    # nn.Embedding lookup: gather rows of the table by label index
    return jnp.take(embedding_table, labels, axis=0)

if __name__ == "__main__":
    import jax
    _d = setup_inputs()
    print(jax.jit(kernel)(*tuple(_d.values())))

</pallas_src>

<mosaic_0001>
#map = affine_map<(d0, d1) -> (0, 0)>
#map1 = affine_map<(d0, d1) -> (0)>
module attributes {stable_mosaic.version = 14 : i64} {
  func.func @_gather_kernel(%arg0: i32, %arg1: i32, %arg2: memref<1001x1024xf32, #tpu.memory_space<hbm>>, %arg3: memref<4096xi32, #tpu.memory_space<hbm>>, %arg4: memref<4096x1024xf32, #tpu.memory_space<hbm>>, %arg5: memref<128xi32, #tpu.memory_space<vmem>>, %arg6: memref<4x16x1024xf32, #tpu.memory_space<vmem>>, %arg7: memref<!tpu.dma_semaphore, #tpu.memory_space<semaphore_mem>>, %arg8: memref<!tpu.dma_semaphore, #tpu.memory_space<semaphore_mem>>, %arg9: memref<!tpu.dma_semaphore, #tpu.memory_space<semaphore_mem>>, %arg10: memref<!tpu.dma_semaphore, #tpu.memory_space<semaphore_mem>>) attributes {dimension_semantics = [#tpu.dimension_semantics<core_parallel>, #tpu.dimension_semantics<subcore_parallel>], iteration_bounds = array<i64: 2, 16>, scalar_prefetch = 0 : i64, scratch_operands = 6 : i64, tpu.core_type = #tpu.core_type<sc_vector_subcore>, window_params = [{transform_indices = #map}, {transform_indices = #map1}, {transform_indices = #map}]} {
    %mul3A = arith.constant 2 : i32
    %mul3A_0 = arith.muli %arg1, %mul3A : i32
    %add3A = arith.addi %mul3A_0, %arg0 : i32
    %mul3A_1 = arith.constant 128 : i32
    %mul3A_2 = arith.muli %add3A, %mul3A_1 : i32
    "tpu.region"() ({
      %run_scoped3A = tpu.sem_alloc : memref<!tpu.dma_semaphore, #tpu.memory_space<semaphore_mem>>
      %dma_start3A_401 = tpu.memref_slice %arg3[%mul3A_2] : memref<4096xi32, #tpu.memory_space<hbm>> -> memref<128xi32, #tpu.memory_space<hbm>>
      %dma_start3A_402 = tpu.memref_slice %arg3[%mul3A_2] : memref<4096xi32, #tpu.memory_space<hbm>> -> memref<128xi32, #tpu.memory_space<hbm>>
      tpu.enqueue_dma source(%dma_start3A_402 : memref<128xi32, #tpu.memory_space<hbm>>) target(%arg5 : memref<128xi32, #tpu.memory_space<vmem>>) target_semaphore(%run_scoped3A : memref<!tpu.dma_semaphore, #tpu.memory_space<semaphore_mem>>)
      %dma_wait3A_403 = tpu.memref_slice %arg3[%mul3A_2] : memref<4096xi32, #tpu.memory_space<hbm>> -> memref<128xi32, #tpu.memory_space<hbm>>
      %dma_wait3A_404 = tpu.memref_slice %arg3[%mul3A_2] : memref<4096xi32, #tpu.memory_space<hbm>> -> memref<128xi32, #tpu.memory_space<hbm>>
      tpu.wait_dma2 semaphore(%run_scoped3A : memref<!tpu.dma_semaphore, #tpu.memory_space<semaphore_mem>>) src(%dma_wait3A_404 : memref<128xi32, #tpu.memory_space<hbm>>) dst(%arg5 : memref<128xi32, #tpu.memory_space<vmem>>)
      tpu.yield
    }) : () -> ()
    %dma_start3A = arith.constant 0 : i32
    %dma_start3A_3 = arith.constant 0 : i32
    %dma_start3A_4 = arith.constant 0 : i32
    %dma_start3A_5 = tpu.memref_slice %arg6[%dma_start3A, %dma_start3A_3, %dma_start3A_4] : memref<4x16x1024xf32, #tpu.memory_space<vmem>> -> memref<1x16x1024xf32, #tpu.memory_space<vmem>>
    %dma_start3A_6 = tpu.memref_squeeze %dma_start3A_5 : memref<1x16x1024xf32, #tpu.memory_space<vmem>> -> memref<16x1024xf32, #tpu.memory_space<vmem>>
    %dma_start3A_7 = arith.constant 0 : i32
    %dma_start3A_8 = tpu.memref_slice %arg5[%dma_start3A_7] : memref<128xi32, #tpu.memory_space<vmem>> -> memref<16xi32, #tpu.memory_space<vmem>>
    %dma_start3A_9 = arith.constant 0 : i32
    %dma_start3A_10 = arith.constant 0 : i32
    %dma_start3A_11 = tpu.memref_slice %arg2[%dma_start3A_9, %dma_start3A_10] : memref<1001x1024xf32, #tpu.memory_space<hbm>> -> memref<1001x1024xf32, #tpu.memory_space<hbm>>
    tpu.enqueue_indirect_dma source(%dma_start3A_11 : memref<1001x1024xf32, #tpu.memory_space<hbm>>) target(%dma_start3A_6 : memref<16x1024xf32, #tpu.memory_space<vmem>>) offsets(%dma_start3A_8 : memref<16xi32, #tpu.memory_space<vmem>>) semaphore(%arg7 : memref<!tpu.dma_semaphore, #tpu.memory_space<semaphore_mem>>)
    %dma_start3A_12 = arith.constant 1 : i32
    %dma_start3A_13 = arith.constant 0 : i32
    %dma_start3A_14 = arith.constant 0 : i32
    %dma_start3A_15 = tpu.memref_slice %arg6[%dma_start3A_12, %dma_start3A_13, %dma_start3A_14] : memref<4x16x1024xf32, #tpu.memory_space<vmem>> -> memref<1x16x1024xf32, #tpu.memory_space<vmem>>
    %dma_start3A_16 = tpu.memref_squeeze %dma_start3A_15 : memref<1x16x1024xf32, #tpu.memory_space<vmem>> -> memref<16x1024xf32, #tpu.memory_space<vmem>>
    %dma_start3A_17 = arith.constant 16 : i32
    %dma_start3A_18 = tpu.memref_slice %arg5[%dma_start3A_17] : memref<128xi32, #tpu.memory_space<vmem>> -> memref<16xi32, #tpu.memory_space<vmem>>
    %dma_start3A_19 = arith.constant 0 : i32
    %dma_start3A_20 = arith.constant 0 : i32
    %dma_start3A_21 = tpu.memref_slice %arg2[%dma_start3A_19, %dma_start3A_20] : memref<1001x1024xf32, #tpu.memory_space<hbm>> -> memref<1001x1024xf32, #tpu.memory_space<hbm>>
    tpu.enqueue_indirect_dma source(%dma_start3A_21 : memref<1001x1024xf32, #tpu.memory_space<hbm>>) target(%dma_start3A_16 : memref<16x1024xf32, #tpu.memory_space<vmem>>) offsets(%dma_start3A_18 : memref<16xi32, #tpu.memory_space<vmem>>) semaphore(%arg8 : memref<!tpu.dma_semaphore, #tpu.memory_space<semaphore_mem>>)
    %dma_start3A_22 = arith.constant 2 : i32
    %dma_start3A_23 = arith.constant 0 : i32
    %dma_start3A_24 = arith.constant 0 : i32
    %dma_start3A_25 = tpu.memref_slice %arg6[%dma_start3A_22, %dma_start3A_23, %dma_start3A_24] : memref<4x16x1024xf32, #tpu.memory_space<vmem>> -> memref<1x16x1024xf32, #tpu.memory_space<vmem>>
    %dma_start3A_26 = tpu.memref_squeeze %dma_start3A_25 : memref<1x16x1024xf32, #tpu.memory_space<vmem>> -> memref<16x1024xf32, #tpu.memory_space<vmem>>
    %dma_start3A_27 = arith.constant 32 : i32
    %dma_start3A_28 = tpu.memref_slice %arg5[%dma_start3A_27] : memref<128xi32, #tpu.memory_space<vmem>> -> memref<16xi32, #tpu.memory_space<vmem>>
    %dma_start3A_29 = arith.constant 0 : i32
    %dma_start3A_30 = arith.constant 0 : i32
    %dma_start3A_31 = tpu.memref_slice %arg2[%dma_start3A_29, %dma_start3A_30] : memref<1001x1024xf32, #tpu.memory_space<hbm>> -> memref<1001x1024xf32, #tpu.memory_space<hbm>>
    tpu.enqueue_indirect_dma source(%dma_start3A_31 : memref<1001x1024xf32, #tpu.memory_space<hbm>>) target(%dma_start3A_26 : memref<16x1024xf32, #tpu.memory_space<vmem>>) offsets(%dma_start3A_28 : memref<16xi32, #tpu.memory_space<vmem>>) semaphore(%arg7 : memref<!tpu.dma_semaphore, #tpu.memory_space<semaphore_mem>>)
    %dma_wait3A = arith.constant 0 : i32
    %dma_wait3A_32 = arith.constant 0 : i32
    %dma_wait3A_33 = arith.constant 0 : i32
    %dma_wait3A_34 = tpu.memref_slice %arg6[%dma_wait3A, %dma_wait3A_32, %dma_wait3A_33] : memref<4x16x1024xf32, #tpu.memory_space<vmem>> -> memref<1x16x1024xf32, #tpu.memory_space<vmem>>
    %dma_wait3A_35 = tpu.memref_squeeze %dma_wait3A_34 : memref<1x16x1024xf32, #tpu.memory_space<vmem>> -> memref<16x1024xf32, #tpu.memory_space<vmem>>
    %dma_wait3A_36 = arith.constant 0 : i32
    %dma_wait3A_37 = tpu.memref_slice %arg5[%dma_wait3A_36] : memref<128xi32, #tpu.memory_space<vmem>> -> memref<16xi32, #tpu.memory_space<vmem>>
    %dma_wait3A_38 = arith.constant 0 : i32
    %dma_wait3A_39 = arith.constant 0 : i32
    %dma_wait3A_40 = tpu.memref_slice %arg2[%dma_wait3A_38, %dma_wait3A_39] : memref<1001x1024xf32, #tpu.memory_space<hbm>> -> memref<1001x1024xf32, #tpu.memory_space<hbm>>
    tpu.wait_indirect_dma semaphore(%arg7 : memref<!tpu.dma_semaphore, #tpu.memory_space<semaphore_mem>>) src(%dma_wait3A_40 : memref<1001x1024xf32, #tpu.memory_space<hbm>>) dst(%dma_wait3A_35 : memref<16x1024xf32, #tpu.memory_space<vmem>>)
    %add3A_41 = arith.constant 0 : i32
    %add3A_42 = arith.addi %mul3A_2, %add3A_41 : i32
    %dma_start3A_43 = arith.constant 0 : i32
    %dma_start3A_44 = arith.constant 0 : i32
    %dma_start3A_45 = arith.constant 0 : i32
    %dma_start3A_46 = tpu.memref_slice %arg6[%dma_start3A_43, %dma_start3A_44, %dma_start3A_45] : memref<4x16x1024xf32, #tpu.memory_space<vmem>> -> memref<1x16x1024xf32, #tpu.memory_space<vmem>>
    %dma_start3A_47 = tpu.memref_squeeze %dma_start3A_46 : memref<1x16x1024xf32, #tpu.memory_space<vmem>> -> memref<16x1024xf32, #tpu.memory_space<vmem>>
    %dma_start3A_48 = arith.constant 0 : i32
    %dma_start3A_49 = tpu.memref_slice %arg4[%add3A_42, %dma_start3A_48] : memref<4096x1024xf32, #tpu.memory_space<hbm>> -> memref<16x1024xf32, #tpu.memory_space<hbm>>
    %dma_start3A_50 = arith.constant 0 : i32
    %dma_start3A_51 = tpu.memref_slice %arg4[%add3A_42, %dma_start3A_50] : memref<4096x1024xf32, #tpu.memory_space<hbm>> -> memref<16x1024xf32, #tpu.memory_space<hbm>>
    %dma_start3A_52 = arith.constant 0 : i32
    %dma_start3A_53 = arith.constant 0 : i32
    %dma_start3A_54 = tpu.memref_slice %arg6[%dma_start3A_43, %dma_start3A_52, %dma_start3A_53] : memref<4x16x1024xf32, #tpu.memory_space<vmem>> -> memref<1x16x1024xf32, #tpu.memory_space<vmem>>
    %dma_start3A_55 = tpu.memref_squeeze %dma_start3A_54 : memref<1x16x1024xf32, #tpu.memory_space<vmem>> -> memref<16x1024xf32, #tpu.memory_space<vmem>>
    tpu.enqueue_dma source(%dma_start3A_55 : memref<16x1024xf32, #tpu.memory_space<vmem>>) target(%dma_start3A_51 : memref<16x1024xf32, #tpu.memory_space<hbm>>) target_semaphore(%arg9 : memref<!tpu.dma_semaphore, #tpu.memory_space<semaphore_mem>>)
    %dma_start3A_56 = arith.constant 3 : i32
    %dma_start3A_57 = arith.constant 0 : i32
    %dma_start3A_58 = arith.constant 0 : i32
    %dma_start3A_59 = tpu.memref_slice %arg6[%dma_start3A_56, %dma_start3A_57, %dma_start3A_58] : memref<4x16x1024xf32, #tpu.memory_space<vmem>> -> memref<1x16x1024xf32, #tpu.memory_space<vmem>>
    %dma_start3A_60 = tpu.memref_squeeze %dma_start3A_59 : memref<1x16x1024xf32, #tpu.memory_space<vmem>> -> memref<16x1024xf32, #tpu.memory_space<vmem>>
    %dma_start3A_61 = arith.constant 48 : i32
    %dma_start3A_62 = tpu.memref_slice %arg5[%dma_start3A_61] : memref<128xi32, #tpu.memory_space<vmem>> -> memref<16xi32, #tpu.memory_space<vmem>>
    %dma_start3A_63 = arith.constant 0 : i32
    %dma_start3A_64 = arith.constant 0 : i32
    %dma_start3A_65 = tpu.memref_slice %arg2[%dma_start3A_63, %dma_start3A_64] : memref<1001x1024xf32, #tpu.memory_space<hbm>> -> memref<1001x1024xf32, #tpu.memory_space<hbm>>
    tpu.enqueue_indirect_dma source(%dma_start3A_65 : memref<1001x1024xf32, #tpu.memory_space<hbm>>) target(%dma_start3A_60 : memref<16x1024xf32, #tpu.memory_space<vmem>>) offsets(%dma_start3A_62 : memref<16xi32, #tpu.memory_space<vmem>>) semaphore(%arg8 : memref<!tpu.dma_semaphore, #tpu.memory_space<semaphore_mem>>)
    %dma_wait3A_66 = arith.constant 1 : i32
    %dma_wait3A_67 = arith.constant 0 : i32
    %dma_wait3A_68 = arith.constant 0 : i32
    %dma_wait3A_69 = tpu.memref_slice %arg6[%dma_wait3A_66, %dma_wait3A_67, %dma_wait3A_68] : memref<4x16x1024xf32, #tpu.memory_space<vmem>> -> memref<1x16x1024xf32, #tpu.memory_space<vmem>>
    %dma_wait3A_70 = tpu.memref_squeeze %dma_wait3A_69 : memref<1x16x1024xf32, #tpu.memory_space<vmem>> -> memref<16x1024xf32, #tpu.memory_space<vmem>>
    %dma_wait3A_71 = arith.constant 16 : i32
    %dma_wait3A_72 = tpu.memref_slice %arg5[%dma_wait3A_71] : memref<128xi32, #tpu.memory_space<vmem>> -> memref<16xi32, #tpu.memory_space<vmem>>
    %dma_wait3A_73 = arith.constant 0 : i32
    %dma_wait3A_74 = arith.constant 0 : i32
    %dma_wait3A_75 = tpu.memref_slice %arg2[%dma_wait3A_73, %dma_wait3A_74] : memref<1001x1024xf32, #tpu.memory_space<hbm>> -> memref<1001x1024xf32, #tpu.memory_space<hbm>>
    tpu.wait_indirect_dma semaphore(%arg8 : memref<!tpu.dma_semaphore, #tpu.memory_space<semaphore_mem>>) src(%dma_wait3A_75 : memref<1001x1024xf32, #tpu.memory_space<hbm>>) dst(%dma_wait3A_70 : memref<16x1024xf32, #tpu.memory_space<vmem>>)
    %add3A_76 = arith.constant 16 : i32
    %add3A_77 = arith.addi %mul3A_2, %add3A_76 : i32
    %dma_start3A_78 = arith.constant 1 : i32
    %dma_start3A_79 = arith.constant 0 : i32
    %dma_start3A_80 = arith.constant 0 : i32
    %dma_start3A_81 = tpu.memref_slice %arg6[%dma_start3A_78, %dma_start3A_79, %dma_start3A_80] : memref<4x16x1024xf32, #tpu.memory_space<vmem>> -> memref<1x16x1024xf32, #tpu.memory_space<vmem>>
    %dma_start3A_82 = tpu.memref_squeeze %dma_start3A_81 : memref<1x16x1024xf32, #tpu.memory_space<vmem>> -> memref<16x1024xf32, #tpu.memory_space<vmem>>
    %dma_start3A_83 = arith.constant 0 : i32
    %dma_start3A_84 = tpu.memref_slice %arg4[%add3A_77, %dma_start3A_83] : memref<4096x1024xf32, #tpu.memory_space<hbm>> -> memref<16x1024xf32, #tpu.memory_space<hbm>>
    %dma_start3A_85 = arith.constant 0 : i32
    %dma_start3A_86 = tpu.memref_slice %arg4[%add3A_77, %dma_start3A_85] : memref<4096x1024xf32, #tpu.memory_space<hbm>> -> memref<16x1024xf32, #tpu.memory_space<hbm>>
    %dma_start3A_87 = arith.constant 0 : i32
    %dma_start3A_88 = arith.constant 0 : i32
    %dma_start3A_89 = tpu.memref_slice %arg6[%dma_start3A_78, %dma_start3A_87, %dma_start3A_88] : memref<4x16x1024xf32, #tpu.memory_space<vmem>> -> memref<1x16x1024xf32, #tpu.memory_space<vmem>>
    %dma_start3A_90 = tpu.memref_squeeze %dma_start3A_89 : memref<1x16x1024xf32, #tpu.memory_space<vmem>> -> memref<16x1024xf32, #tpu.memory_space<vmem>>
    tpu.enqueue_dma source(%dma_start3A_90 : memref<16x1024xf32, #tpu.memory_space<vmem>>) target(%dma_start3A_86 : memref<16x1024xf32, #tpu.memory_space<hbm>>) target_semaphore(%arg10 : memref<!tpu.dma_semaphore, #tpu.memory_space<semaphore_mem>>)
    %add3A_91 = arith.constant 0 : i32
    %add3A_92 = arith.addi %mul3A_2, %add3A_91 : i32
    %dma_wait3A_93 = arith.constant 0 : i32
    %dma_wait3A_94 = arith.constant 0 : i32
    %dma_wait3A_95 = arith.constant 0 : i32
    %dma_wait3A_96 = tpu.memref_slice %arg6[%dma_wait3A_93, %dma_wait3A_94, %dma_wait3A_95] : memref<4x16x1024xf32, #tpu.memory_space<vmem>> -> memref<1x16x1024xf32, #tpu.memory_space<vmem>>
    %dma_wait3A_97 = tpu.memref_squeeze %dma_wait3A_96 : memref<1x16x1024xf32, #tpu.memory_space<vmem>> -> memref<16x1024xf32, #tpu.memory_space<vmem>>
    %dma_wait3A_98 = arith.constant 0 : i32
    %dma_wait3A_99 = tpu.memref_slice %arg4[%add3A_92, %dma_wait3A_98] : memref<4096x1024xf32, #tpu.memory_space<hbm>> -> memref<16x1024xf32, #tpu.memory_space<hbm>>
    %dma_wait3A_100 = arith.constant 0 : i32
    %dma_wait3A_101 = tpu.memref_slice %arg4[%add3A_92, %dma_wait3A_100] : memref<4096x1024xf32, #tpu.memory_space<hbm>> -> memref<16x1024xf32, #tpu.memory_space<hbm>>
    %dma_wait3A_102 = arith.constant 0 : i32
    %dma_wait3A_103 = arith.constant 0 : i32
    %dma_wait3A_104 = tpu.memref_slice %arg6[%dma_wait3A_93, %dma_wait3A_102, %dma_wait3A_103] : memref<4x16x1024xf32, #tpu.memory_space<vmem>> -> memref<1x16x1024xf32, #tpu.memory_space<vmem>>
    %dma_wait3A_105 = tpu.memref_squeeze %dma_wait3A_104 : memref<1x16x1024xf32, #tpu.memory_space<vmem>> -> memref<16x1024xf32, #tpu.memory_space<vmem>>
    tpu.wait_dma2 semaphore(%arg9 : memref<!tpu.dma_semaphore, #tpu.memory_space<semaphore_mem>>) src(%dma_wait3A_105 : memref<16x1024xf32, #tpu.memory_space<vmem>>) dst(%dma_wait3A_101 : memref<16x1024xf32, #tpu.memory_space<hbm>>)
    %dma_start3A_106 = arith.constant 0 : i32
    %dma_start3A_107 = arith.constant 0 : i32
    %dma_start3A_108 = arith.constant 0 : i32
    %dma_start3A_109 = tpu.memref_slice %arg6[%dma_start3A_106, %dma_start3A_107, %dma_start3A_108] : memref<4x16x1024xf32, #tpu.memory_space<vmem>> -> memref<1x16x1024xf32, #tpu.memory_space<vmem>>
    %dma_start3A_110 = tpu.memref_squeeze %dma_start3A_109 : memref<1x16x1024xf32, #tpu.memory_space<vmem>> -> memref<16x1024xf32, #tpu.memory_space<vmem>>
    %dma_start3A_111 = arith.constant 64 : i32
    %dma_start3A_112 = tpu.memref_slice %arg5[%dma_start3A_111] : memref<128xi32, #tpu.memory_space<vmem>> -> memref<16xi32, #tpu.memory_space<vmem>>
    %dma_start3A_113 = arith.constant 0 : i32
    %dma_start3A_114 = arith.constant 0 : i32
    %dma_start3A_115 = tpu.memref_slice %arg2[%dma_start3A_113, %dma_start3A_114] : memref<1001x1024xf32, #tpu.memory_space<hbm>> -> memref<1001x1024xf32, #tpu.memory_space<hbm>>
    tpu.enqueue_indirect_dma source(%dma_start3A_115 : memref<1001x1024xf32, #tpu.memory_space<hbm>>) target(%dma_start3A_110 : memref<16x1024xf32, #tpu.memory_space<vmem>>) offsets(%dma_start3A_112 : memref<16xi32, #tpu.memory_space<vmem>>) semaphore(%arg7 : memref<!tpu.dma_semaphore, #tpu.memory_space<semaphore_mem>>)
    %dma_wait3A_116 = arith.constant 2 : i32
    %dma_wait3A_117 = arith.constant 0 : i32
    %dma_wait3A_118 = arith.constant 0 : i32
    %dma_wait3A_119 = tpu.memref_slice %arg6[%dma_wait3A_116, %dma_wait3A_117, %dma_wait3A_118] : memref<4x16x1024xf32, #tpu.memory_space<vmem>> -> memref<1x16x1024xf32, #tpu.memory_space<vmem>>
    %dma_wait3A_120 = tpu.memref_squeeze %dma_wait3A_119 : memref<1x16x1024xf32, #tpu.memory_space<vmem>> -> memref<16x1024xf32, #tpu.memory_space<vmem>>
    %dma_wait3A_121 = arith.constant 32 : i32
    %dma_wait3A_122 = tpu.memref_slice %arg5[%dma_wait3A_121] : memref<128xi32, #tpu.memory_space<vmem>> -> memref<16xi32, #tpu.memory_space<vmem>>
    %dma_wait3A_123 = arith.constant 0 : i32
    %dma_wait3A_124 = arith.constant 0 : i32
    %dma_wait3A_125 = tpu.memref_slice %arg2[%dma_wait3A_123, %dma_wait3A_124] : memref<1001x1024xf32, #tpu.memory_space<hbm>> -> memref<1001x1024xf32, #tpu.memory_space<hbm>>
    tpu.wait_indirect_dma semaphore(%arg7 : memref<!tpu.dma_semaphore, #tpu.memory_space<semaphore_mem>>) src(%dma_wait3A_125 : memref<1001x1024xf32, #tpu.memory_space<hbm>>) dst(%dma_wait3A_120 : memref<16x1024xf32, #tpu.memory_space<vmem>>)
    %add3A_126 = arith.constant 32 : i32
    %add3A_127 = arith.addi %mul3A_2, %add3A_126 : i32
    %dma_start3A_128 = arith.constant 2 : i32
    %dma_start3A_129 = arith.constant 0 : i32
    %dma_start3A_130 = arith.constant 0 : i32
    %dma_start3A_131 = tpu.memref_slice %arg6[%dma_start3A_128, %dma_start3A_129, %dma_start3A_130] : memref<4x16x1024xf32, #tpu.memory_space<vmem>> -> memref<1x16x1024xf32, #tpu.memory_space<vmem>>
    %dma_start3A_132 = tpu.memref_squeeze %dma_start3A_131 : memref<1x16x1024xf32, #tpu.memory_space<vmem>> -> memref<16x1024xf32, #tpu.memory_space<vmem>>
    %dma_start3A_133 = arith.constant 0 : i32
    %dma_start3A_134 = tpu.memref_slice %arg4[%add3A_127, %dma_start3A_133] : memref<4096x1024xf32, #tpu.memory_space<hbm>> -> memref<16x1024xf32, #tpu.memory_space<hbm>>
    %dma_start3A_135 = arith.constant 0 : i32
    %dma_start3A_136 = tpu.memref_slice %arg4[%add3A_127, %dma_start3A_135] : memref<4096x1024xf32, #tpu.memory_space<hbm>> -> memref<16x1024xf32, #tpu.memory_space<hbm>>
    %dma_start3A_137 = arith.constant 0 : i32
    %dma_start3A_138 = arith.constant 0 : i32
    %dma_start3A_139 = tpu.memref_slice %arg6[%dma_start3A_128, %dma_start3A_137, %dma_start3A_138] : memref<4x16x1024xf32, #tpu.memory_space<vmem>> -> memref<1x16x1024xf32, #tpu.memory_space<vmem>>
    %dma_start3A_140 = tpu.memref_squeeze %dma_start3A_139 : memref<1x16x1024xf32, #tpu.memory_space<vmem>> -> memref<16x1024xf32, #tpu.memory_space<vmem>>
    tpu.enqueue_dma source(%dma_start3A_140 : memref<16x1024xf32, #tpu.memory_space<vmem>>) target(%dma_start3A_136 : memref<16x1024xf32, #tpu.memory_space<hbm>>) target_semaphore(%arg9 : memref<!tpu.dma_semaphore, #tpu.memory_space<semaphore_mem>>)
    %add3A_141 = arith.constant 16 : i32
    %add3A_142 = arith.addi %mul3A_2, %add3A_141 : i32
    %dma_wait3A_143 = arith.constant 1 : i32
    %dma_wait3A_144 = arith.constant 0 : i32
    %dma_wait3A_145 = arith.constant 0 : i32
    %dma_wait3A_146 = tpu.memref_slice %arg6[%dma_wait3A_143, %dma_wait3A_144, %dma_wait3A_145] : memref<4x16x1024xf32, #tpu.memory_space<vmem>> -> memref<1x16x1024xf32, #tpu.memory_space<vmem>>
    %dma_wait3A_147 = tpu.memref_squeeze %dma_wait3A_146 : memref<1x16x1024xf32, #tpu.memory_space<vmem>> -> memref<16x1024xf32, #tpu.memory_space<vmem>>
    %dma_wait3A_148 = arith.constant 0 : i32
    %dma_wait3A_149 = tpu.memref_slice %arg4[%add3A_142, %dma_wait3A_148] : memref<4096x1024xf32, #tpu.memory_space<hbm>> -> memref<16x1024xf32, #tpu.memory_space<hbm>>
    %dma_wait3A_150 = arith.constant 0 : i32
    %dma_wait3A_151 = tpu.memref_slice %arg4[%add3A_142, %dma_wait3A_150] : memref<4096x1024xf32, #tpu.memory_space<hbm>> -> memref<16x1024xf32, #tpu.memory_space<hbm>>
    %dma_wait3A_152 = arith.constant 0 : i32
    %dma_wait3A_153 = arith.constant 0 : i32
    %dma_wait3A_154 = tpu.memref_slice %arg6[%dma_wait3A_143, %dma_wait3A_152, %dma_wait3A_153] : memref<4x16x1024xf32, #tpu.memory_space<vmem>> -> memref<1x16x1024xf32, #tpu.memory_space<vmem>>
    %dma_wait3A_155 = tpu.memref_squeeze %dma_wait3A_154 : memref<1x16x1024xf32, #tpu.memory_space<vmem>> -> memref<16x1024xf32, #tpu.memory_space<vmem>>
    tpu.wait_dma2 semaphore(%arg10 : memref<!tpu.dma_semaphore, #tpu.memory_space<semaphore_mem>>) src(%dma_wait3A_155 : memref<16x1024xf32, #tpu.memory_space<vmem>>) dst(%dma_wait3A_151 : memref<16x1024xf32, #tpu.memory_space<hbm>>)
    %dma_start3A_156 = arith.constant 1 : i32
    %dma_start3A_157 = arith.constant 0 : i32
    %dma_start3A_158 = arith.constant 0 : i32
    %dma_start3A_159 = tpu.memref_slice %arg6[%dma_start3A_156, %dma_start3A_157, %dma_start3A_158] : memref<4x16x1024xf32, #tpu.memory_space<vmem>> -> memref<1x16x1024xf32, #tpu.memory_space<vmem>>
    %dma_start3A_160 = tpu.memref_squeeze %dma_start3A_159 : memref<1x16x1024xf32, #tpu.memory_space<vmem>> -> memref<16x1024xf32, #tpu.memory_space<vmem>>
    %dma_start3A_161 = arith.constant 80 : i32
    %dma_start3A_162 = tpu.memref_slice %arg5[%dma_start3A_161] : memref<128xi32, #tpu.memory_space<vmem>> -> memref<16xi32, #tpu.memory_space<vmem>>
    %dma_start3A_163 = arith.constant 0 : i32
    %dma_start3A_164 = arith.constant 0 : i32
    %dma_start3A_165 = tpu.memref_slice %arg2[%dma_start3A_163, %dma_start3A_164] : memref<1001x1024xf32, #tpu.memory_space<hbm>> -> memref<1001x1024xf32, #tpu.memory_space<hbm>>
    tpu.enqueue_indirect_dma source(%dma_start3A_165 : memref<1001x1024xf32, #tpu.memory_space<hbm>>) target(%dma_start3A_160 : memref<16x1024xf32, #tpu.memory_space<vmem>>) offsets(%dma_start3A_162 : memref<16xi32, #tpu.memory_space<vmem>>) semaphore(%arg8 : memref<!tpu.dma_semaphore, #tpu.memory_space<semaphore_mem>>)
    %dma_wait3A_166 = arith.constant 3 : i32
    %dma_wait3A_167 = arith.constant 0 : i32
    %dma_wait3A_168 = arith.constant 0 : i32
    %dma_wait3A_169 = tpu.memref_slice %arg6[%dma_wait3A_166, %dma_wait3A_167, %dma_wait3A_168] : memref<4x16x1024xf32, #tpu.memory_space<vmem>> -> memref<1x16x1024xf32, #tpu.memory_space<vmem>>
    %dma_wait3A_170 = tpu.memref_squeeze %dma_wait3A_169 : memref<1x16x1024xf32, #tpu.memory_space<vmem>> -> memref<16x1024xf32, #tpu.memory_space<vmem>>
    %dma_wait3A_171 = arith.constant 48 : i32
    %dma_wait3A_172 = tpu.memref_slice %arg5[%dma_wait3A_171] : memref<128xi32, #tpu.memory_space<vmem>> -> memref<16xi32, #tpu.memory_space<vmem>>
    %dma_wait3A_173 = arith.constant 0 : i32
    %dma_wait3A_174 = arith.constant 0 : i32
    %dma_wait3A_175 = tpu.memref_slice %arg2[%dma_wait3A_173, %dma_wait3A_174] : memref<1001x1024xf32, #tpu.memory_space<hbm>> -> memref<1001x1024xf32, #tpu.memory_space<hbm>>
    tpu.wait_indirect_dma semaphore(%arg8 : memref<!tpu.dma_semaphore, #tpu.memory_space<semaphore_mem>>) src(%dma_wait3A_175 : memref<1001x1024xf32, #tpu.memory_space<hbm>>) dst(%dma_wait3A_170 : memref<16x1024xf32, #tpu.memory_space<vmem>>)
    %add3A_176 = arith.constant 48 : i32
    %add3A_177 = arith.addi %mul3A_2, %add3A_176 : i32
    %dma_start3A_178 = arith.constant 3 : i32
    %dma_start3A_179 = arith.constant 0 : i32
    %dma_start3A_180 = arith.constant 0 : i32
    %dma_start3A_181 = tpu.memref_slice %arg6[%dma_start3A_178, %dma_start3A_179, %dma_start3A_180] : memref<4x16x1024xf32, #tpu.memory_space<vmem>> -> memref<1x16x1024xf32, #tpu.memory_space<vmem>>
    %dma_start3A_182 = tpu.memref_squeeze %dma_start3A_181 : memref<1x16x1024xf32, #tpu.memory_space<vmem>> -> memref<16x1024xf32, #tpu.memory_space<vmem>>
    %dma_start3A_183 = arith.constant 0 : i32
    %dma_start3A_184 = tpu.memref_slice %arg4[%add3A_177, %dma_start3A_183] : memref<4096x1024xf32, #tpu.memory_space<hbm>> -> memref<16x1024xf32, #tpu.memory_space<hbm>>
    %dma_start3A_185 = arith.constant 0 : i32
    %dma_start3A_186 = tpu.memref_slice %arg4[%add3A_177, %dma_start3A_185] : memref<4096x1024xf32, #tpu.memory_space<hbm>> -> memref<16x1024xf32, #tpu.memory_space<hbm>>
    %dma_start3A_187 = arith.constant 0 : i32
    %dma_start3A_188 = arith.constant 0 : i32
    %dma_start3A_189 = tpu.memref_slice %arg6[%dma_start3A_178, %dma_start3A_187, %dma_start3A_188] : memref<4x16x1024xf32, #tpu.memory_space<vmem>> -> memref<1x16x1024xf32, #tpu.memory_space<vmem>>
    %dma_start3A_190 = tpu.memref_squeeze %dma_start3A_189 : memref<1x16x1024xf32, #tpu.memory_space<vmem>> -> memref<16x1024xf32, #tpu.memory_space<vmem>>
    tpu.enqueue_dma source(%dma_start3A_190 : memref<16x1024xf32, #tpu.memory_space<vmem>>) target(%dma_start3A_186 : memref<16x1024xf32, #tpu.memory_space<hbm>>) target_semaphore(%arg10 : memref<!tpu.dma_semaphore, #tpu.memory_space<semaphore_mem>>)
    %add3A_191 = arith.constant 32 : i32
    %add3A_192 = arith.addi %mul3A_2, %add3A_191 : i32
    %dma_wait3A_193 = arith.constant 2 : i32
    %dma_wait3A_194 = arith.constant 0 : i32
    %dma_wait3A_195 = arith.constant 0 : i32
    %dma_wait3A_196 = tpu.memref_slice %arg6[%dma_wait3A_193, %dma_wait3A_194, %dma_wait3A_195] : memref<4x16x1024xf32, #tpu.memory_space<vmem>> -> memref<1x16x1024xf32, #tpu.memory_space<vmem>>
    %dma_wait3A_197 = tpu.memref_squeeze %dma_wait3A_196 : memref<1x16x1024xf32, #tpu.memory_space<vmem>> -> memref<16x1024xf32, #tpu.memory_space<vmem>>
    %dma_wait3A_198 = arith.constant 0 : i32
    %dma_wait3A_199 = tpu.memref_slice %arg4[%add3A_192, %dma_wait3A_198] : memref<4096x1024xf32, #tpu.memory_space<hbm>> -> memref<16x1024xf32, #tpu.memory_space<hbm>>
    %dma_wait3A_200 = arith.constant 0 : i32
    %dma_wait3A_201 = tpu.memref_slice %arg4[%add3A_192, %dma_wait3A_200] : memref<4096x1024xf32, #tpu.memory_space<hbm>> -> memref<16x1024xf32, #tpu.memory_space<hbm>>
    %dma_wait3A_202 = arith.constant 0 : i32
    %dma_wait3A_203 = arith.constant 0 : i32
    %dma_wait3A_204 = tpu.memref_slice %arg6[%dma_wait3A_193, %dma_wait3A_202, %dma_wait3A_203] : memref<4x16x1024xf32, #tpu.memory_space<vmem>> -> memref<1x16x1024xf32, #tpu.memory_space<vmem>>
    %dma_wait3A_205 = tpu.memref_squeeze %dma_wait3A_204 : memref<1x16x1024xf32, #tpu.memory_space<vmem>> -> memref<16x1024xf32, #tpu.memory_space<vmem>>
    tpu.wait_dma2 semaphore(%arg9 : memref<!tpu.dma_semaphore, #tpu.memory_space<semaphore_mem>>) src(%dma_wait3A_205 : memref<16x1024xf32, #tpu.memory_space<vmem>>) dst(%dma_wait3A_201 : memref<16x1024xf32, #tpu.memory_space<hbm>>)
    %dma_start3A_206 = arith.constant 2 : i32
    %dma_start3A_207 = arith.constant 0 : i32
    %dma_start3A_208 = arith.constant 0 : i32
    %dma_start3A_209 = tpu.memref_slice %arg6[%dma_start3A_206, %dma_start3A_207, %dma_start3A_208] : memref<4x16x1024xf32, #tpu.memory_space<vmem>> -> memref<1x16x1024xf32, #tpu.memory_space<vmem>>
    %dma_start3A_210 = tpu.memref_squeeze %dma_start3A_209 : memref<1x16x1024xf32, #tpu.memory_space<vmem>> -> memref<16x1024xf32, #tpu.memory_space<vmem>>
    %dma_start3A_211 = arith.constant 96 : i32
    %dma_start3A_212 = tpu.memref_slice %arg5[%dma_start3A_211] : memref<128xi32, #tpu.memory_space<vmem>> -> memref<16xi32, #tpu.memory_space<vmem>>
    %dma_start3A_213 = arith.constant 0 : i32
    %dma_start3A_214 = arith.constant 0 : i32
    %dma_start3A_215 = tpu.memref_slice %arg2[%dma_start3A_213, %dma_start3A_214] : memref<1001x1024xf32, #tpu.memory_space<hbm>> -> memref<1001x1024xf32, #tpu.memory_space<hbm>>
    tpu.enqueue_indirect_dma source(%dma_start3A_215 : memref<1001x1024xf32, #tpu.memory_space<hbm>>) target(%dma_start3A_210 : memref<16x1024xf32, #tpu.memory_space<vmem>>) offsets(%dma_start3A_212 : memref<16xi32, #tpu.memory_space<vmem>>) semaphore(%arg7 : memref<!tpu.dma_semaphore, #tpu.memory_space<semaphore_mem>>)
    %dma_wait3A_216 = arith.constant 0 : i32
    %dma_wait3A_217 = arith.constant 0 : i32
    %dma_wait3A_218 = arith.constant 0 : i32
    %dma_wait3A_219 = tpu.memref_slice %arg6[%dma_wait3A_216, %dma_wait3A_217, %dma_wait3A_218] : memref<4x16x1024xf32, #tpu.memory_space<vmem>> -> memref<1x16x1024xf32, #tpu.memory_space<vmem>>
    %dma_wait3A_220 = tpu.memref_squeeze %dma_wait3A_219 : memref<1x16x1024xf32, #tpu.memory_space<vmem>> -> memref<16x1024xf32, #tpu.memory_space<vmem>>
    %dma_wait3A_221 = arith.constant 64 : i32
    %dma_wait3A_222 = tpu.memref_slice %arg5[%dma_wait3A_221] : memref<128xi32, #tpu.memory_space<vmem>> -> memref<16xi32, #tpu.memory_space<vmem>>
    %dma_wait3A_223 = arith.constant 0 : i32
    %dma_wait3A_224 = arith.constant 0 : i32
    %dma_wait3A_225 = tpu.memref_slice %arg2[%dma_wait3A_223, %dma_wait3A_224] : memref<1001x1024xf32, #tpu.memory_space<hbm>> -> memref<1001x1024xf32, #tpu.memory_space<hbm>>
    tpu.wait_indirect_dma semaphore(%arg7 : memref<!tpu.dma_semaphore, #tpu.memory_space<semaphore_mem>>) src(%dma_wait3A_225 : memref<1001x1024xf32, #tpu.memory_space<hbm>>) dst(%dma_wait3A_220 : memref<16x1024xf32, #tpu.memory_space<vmem>>)
    %add3A_226 = arith.constant 64 : i32
    %add3A_227 = arith.addi %mul3A_2, %add3A_226 : i32
    %dma_start3A_228 = arith.constant 0 : i32
    %dma_start3A_229 = arith.constant 0 : i32
    %dma_start3A_230 = arith.constant 0 : i32
    %dma_start3A_231 = tpu.memref_slice %arg6[%dma_start3A_228, %dma_start3A_229, %dma_start3A_230] : memref<4x16x1024xf32, #tpu.memory_space<vmem>> -> memref<1x16x1024xf32, #tpu.memory_space<vmem>>
    %dma_start3A_232 = tpu.memref_squeeze %dma_start3A_231 : memref<1x16x1024xf32, #tpu.memory_space<vmem>> -> memref<16x1024xf32, #tpu.memory_space<vmem>>
    %dma_start3A_233 = arith.constant 0 : i32
    %dma_start3A_234 = tpu.memref_slice %arg4[%add3A_227, %dma_start3A_233] : memref<4096x1024xf32, #tpu.memory_space<hbm>> -> memref<16x1024xf32, #tpu.memory_space<hbm>>
    %dma_start3A_235 = arith.constant 0 : i32
    %dma_start3A_236 = tpu.memref_slice %arg4[%add3A_227, %dma_start3A_235] : memref<4096x1024xf32, #tpu.memory_space<hbm>> -> memref<16x1024xf32, #tpu.memory_space<hbm>>
    %dma_start3A_237 = arith.constant 0 : i32
    %dma_start3A_238 = arith.constant 0 : i32
    %dma_start3A_239 = tpu.memref_slice %arg6[%dma_start3A_228, %dma_start3A_237, %dma_start3A_238] : memref<4x16x1024xf32, #tpu.memory_space<vmem>> -> memref<1x16x1024xf32, #tpu.memory_space<vmem>>
    %dma_start3A_240 = tpu.memref_squeeze %dma_start3A_239 : memref<1x16x1024xf32, #tpu.memory_space<vmem>> -> memref<16x1024xf32, #tpu.memory_space<vmem>>
    tpu.enqueue_dma source(%dma_start3A_240 : memref<16x1024xf32, #tpu.memory_space<vmem>>) target(%dma_start3A_236 : memref<16x1024xf32, #tpu.memory_space<hbm>>) target_semaphore(%arg9 : memref<!tpu.dma_semaphore, #tpu.memory_space<semaphore_mem>>)
    %add3A_241 = arith.constant 48 : i32
    %add3A_242 = arith.addi %mul3A_2, %add3A_241 : i32
    %dma_wait3A_243 = arith.constant 3 : i32
    %dma_wait3A_244 = arith.constant 0 : i32
    %dma_wait3A_245 = arith.constant 0 : i32
    %dma_wait3A_246 = tpu.memref_slice %arg6[%dma_wait3A_243, %dma_wait3A_244, %dma_wait3A_245] : memref<4x16x1024xf32, #tpu.memory_space<vmem>> -> memref<1x16x1024xf32, #tpu.memory_space<vmem>>
    %dma_wait3A_247 = tpu.memref_squeeze %dma_wait3A_246 : memref<1x16x1024xf32, #tpu.memory_space<vmem>> -> memref<16x1024xf32, #tpu.memory_space<vmem>>
    %dma_wait3A_248 = arith.constant 0 : i32
    %dma_wait3A_249 = tpu.memref_slice %arg4[%add3A_242, %dma_wait3A_248] : memref<4096x1024xf32, #tpu.memory_space<hbm>> -> memref<16x1024xf32, #tpu.memory_space<hbm>>
    %dma_wait3A_250 = arith.constant 0 : i32
    %dma_wait3A_251 = tpu.memref_slice %arg4[%add3A_242, %dma_wait3A_250] : memref<4096x1024xf32, #tpu.memory_space<hbm>> -> memref<16x1024xf32, #tpu.memory_space<hbm>>
    %dma_wait3A_252 = arith.constant 0 : i32
    %dma_wait3A_253 = arith.constant 0 : i32
    %dma_wait3A_254 = tpu.memref_slice %arg6[%dma_wait3A_243, %dma_wait3A_252, %dma_wait3A_253] : memref<4x16x1024xf32, #tpu.memory_space<vmem>> -> memref<1x16x1024xf32, #tpu.memory_space<vmem>>
    %dma_wait3A_255 = tpu.memref_squeeze %dma_wait3A_254 : memref<1x16x1024xf32, #tpu.memory_space<vmem>> -> memref<16x1024xf32, #tpu.memory_space<vmem>>
    tpu.wait_dma2 semaphore(%arg10 : memref<!tpu.dma_semaphore, #tpu.memory_space<semaphore_mem>>) src(%dma_wait3A_255 : memref<16x1024xf32, #tpu.memory_space<vmem>>) dst(%dma_wait3A_251 : memref<16x1024xf32, #tpu.memory_space<hbm>>)
    %dma_start3A_256 = arith.constant 3 : i32
    %dma_start3A_257 = arith.constant 0 : i32
    %dma_start3A_258 = arith.constant 0 : i32
    %dma_start3A_259 = tpu.memref_slice %arg6[%dma_start3A_256, %dma_start3A_257, %dma_start3A_258] : memref<4x16x1024xf32, #tpu.memory_space<vmem>> -> memref<1x16x1024xf32, #tpu.memory_space<vmem>>
    %dma_start3A_260 = tpu.memref_squeeze %dma_start3A_259 : memref<1x16x1024xf32, #tpu.memory_space<vmem>> -> memref<16x1024xf32, #tpu.memory_space<vmem>>
    %dma_start3A_261 = arith.constant 112 : i32
    %dma_start3A_262 = tpu.memref_slice %arg5[%dma_start3A_261] : memref<128xi32, #tpu.memory_space<vmem>> -> memref<16xi32, #tpu.memory_space<vmem>>
    %dma_start3A_263 = arith.constant 0 : i32
    %dma_start3A_264 = arith.constant 0 : i32
    %dma_start3A_265 = tpu.memref_slice %arg2[%dma_start3A_263, %dma_start3A_264] : memref<1001x1024xf32, #tpu.memory_space<hbm>> -> memref<1001x1024xf32, #tpu.memory_space<hbm>>
    tpu.enqueue_indirect_dma source(%dma_start3A_265 : memref<1001x1024xf32, #tpu.memory_space<hbm>>) target(%dma_start3A_260 : memref<16x1024xf32, #tpu.memory_space<vmem>>) offsets(%dma_start3A_262 : memref<16xi32, #tpu.memory_space<vmem>>) semaphore(%arg8 : memref<!tpu.dma_semaphore, #tpu.memory_space<semaphore_mem>>)
    %dma_wait3A_266 = arith.constant 1 : i32
    %dma_wait3A_267 = arith.constant 0 : i32
    %dma_wait3A_268 = arith.constant 0 : i32
    %dma_wait3A_269 = tpu.memref_slice %arg6[%dma_wait3A_266, %dma_wait3A_267, %dma_wait3A_268] : memref<4x16x1024xf32, #tpu.memory_space<vmem>> -> memref<1x16x1024xf32, #tpu.memory_space<vmem>>
    %dma_wait3A_270 = tpu.memref_squeeze %dma_wait3A_269 : memref<1x16x1024xf32, #tpu.memory_space<vmem>> -> memref<16x1024xf32, #tpu.memory_space<vmem>>
    %dma_wait3A_271 = arith.constant 80 : i32
    %dma_wait3A_272 = tpu.memref_slice %arg5[%dma_wait3A_271] : memref<128xi32, #tpu.memory_space<vmem>> -> memref<16xi32, #tpu.memory_space<vmem>>
    %dma_wait3A_273 = arith.constant 0 : i32
    %dma_wait3A_274 = arith.constant 0 : i32
    %dma_wait3A_275 = tpu.memref_slice %arg2[%dma_wait3A_273, %dma_wait3A_274] : memref<1001x1024xf32, #tpu.memory_space<hbm>> -> memref<1001x1024xf32, #tpu.memory_space<hbm>>
    tpu.wait_indirect_dma semaphore(%arg8 : memref<!tpu.dma_semaphore, #tpu.memory_space<semaphore_mem>>) src(%dma_wait3A_275 : memref<1001x1024xf32, #tpu.memory_space<hbm>>) dst(%dma_wait3A_270 : memref<16x1024xf32, #tpu.memory_space<vmem>>)
    %add3A_276 = arith.constant 80 : i32
    %add3A_277 = arith.addi %mul3A_2, %add3A_276 : i32
    %dma_start3A_278 = arith.constant 1 : i32
    %dma_start3A_279 = arith.constant 0 : i32
    %dma_start3A_280 = arith.constant 0 : i32
    %dma_start3A_281 = tpu.memref_slice %arg6[%dma_start3A_278, %dma_start3A_279, %dma_start3A_280] : memref<4x16x1024xf32, #tpu.memory_space<vmem>> -> memref<1x16x1024xf32, #tpu.memory_space<vmem>>
    %dma_start3A_282 = tpu.memref_squeeze %dma_start3A_281 : memref<1x16x1024xf32, #tpu.memory_space<vmem>> -> memref<16x1024xf32, #tpu.memory_space<vmem>>
    %dma_start3A_283 = arith.constant 0 : i32
    %dma_start3A_284 = tpu.memref_slice %arg4[%add3A_277, %dma_start3A_283] : memref<4096x1024xf32, #tpu.memory_space<hbm>> -> memref<16x1024xf32, #tpu.memory_space<hbm>>
    %dma_start3A_285 = arith.constant 0 : i32
    %dma_start3A_286 = tpu.memref_slice %arg4[%add3A_277, %dma_start3A_285] : memref<4096x1024xf32, #tpu.memory_space<hbm>> -> memref<16x1024xf32, #tpu.memory_space<hbm>>
    %dma_start3A_287 = arith.constant 0 : i32
    %dma_start3A_288 = arith.constant 0 : i32
    %dma_start3A_289 = tpu.memref_slice %arg6[%dma_start3A_278, %dma_start3A_287, %dma_start3A_288] : memref<4x16x1024xf32, #tpu.memory_space<vmem>> -> memref<1x16x1024xf32, #tpu.memory_space<vmem>>
    %dma_start3A_290 = tpu.memref_squeeze %dma_start3A_289 : memref<1x16x1024xf32, #tpu.memory_space<vmem>> -> memref<16x1024xf32, #tpu.memory_space<vmem>>
    tpu.enqueue_dma source(%dma_start3A_290 : memref<16x1024xf32, #tpu.memory_space<vmem>>) target(%dma_start3A_286 : memref<16x1024xf32, #tpu.memory_space<hbm>>) target_semaphore(%arg10 : memref<!tpu.dma_semaphore, #tpu.memory_space<semaphore_mem>>)
    %dma_wait3A_291 = arith.constant 2 : i32
    %dma_wait3A_292 = arith.constant 0 : i32
    %dma_wait3A_293 = arith.constant 0 : i32
    %dma_wait3A_294 = tpu.memref_slice %arg6[%dma_wait3A_291, %dma_wait3A_292, %dma_wait3A_293] : memref<4x16x1024xf32, #tpu.memory_space<vmem>> -> memref<1x16x1024xf32, #tpu.memory_space<vmem>>
    %dma_wait3A_295 = tpu.memref_squeeze %dma_wait3A_294 : memref<1x16x1024xf32, #tpu.memory_space<vmem>> -> memref<16x1024xf32, #tpu.memory_space<vmem>>
    %dma_wait3A_296 = arith.constant 96 : i32
    %dma_wait3A_297 = tpu.memref_slice %arg5[%dma_wait3A_296] : memref<128xi32, #tpu.memory_space<vmem>> -> memref<16xi32, #tpu.memory_space<vmem>>
    %dma_wait3A_298 = arith.constant 0 : i32
    %dma_wait3A_299 = arith.constant 0 : i32
    %dma_wait3A_300 = tpu.memref_slice %arg2[%dma_wait3A_298, %dma_wait3A_299] : memref<1001x1024xf32, #tpu.memory_space<hbm>> -> memref<1001x1024xf32, #tpu.memory_space<hbm>>
    tpu.wait_indirect_dma semaphore(%arg7 : memref<!tpu.dma_semaphore, #tpu.memory_space<semaphore_mem>>) src(%dma_wait3A_300 : memref<1001x1024xf32, #tpu.memory_space<hbm>>) dst(%dma_wait3A_295 : memref<16x1024xf32, #tpu.memory_space<vmem>>)
    %add3A_301 = arith.constant 96 : i32
    %add3A_302 = arith.addi %mul3A_2, %add3A_301 : i32
    %dma_start3A_303 = arith.constant 2 : i32
    %dma_start3A_304 = arith.constant 0 : i32
    %dma_start3A_305 = arith.constant 0 : i32
    %dma_start3A_306 = tpu.memref_slice %arg6[%dma_start3A_303, %dma_start3A_304, %dma_start3A_305] : memref<4x16x1024xf32, #tpu.memory_space<vmem>> -> memref<1x16x1024xf32, #tpu.memory_space<vmem>>
    %dma_start3A_307 = tpu.memref_squeeze %dma_start3A_306 : memref<1x16x1024xf32, #tpu.memory_space<vmem>> -> memref<16x1024xf32, #tpu.memory_space<vmem>>
    %dma_start3A_308 = arith.constant 0 : i32
    %dma_start3A_309 = tpu.memref_slice %arg4[%add3A_302, %dma_start3A_308] : memref<4096x1024xf32, #tpu.memory_space<hbm>> -> memref<16x1024xf32, #tpu.memory_space<hbm>>
    %dma_start3A_310 = arith.constant 0 : i32
    %dma_start3A_311 = tpu.memref_slice %arg4[%add3A_302, %dma_start3A_310] : memref<4096x1024xf32, #tpu.memory_space<hbm>> -> memref<16x1024xf32, #tpu.memory_space<hbm>>
    %dma_start3A_312 = arith.constant 0 : i32
    %dma_start3A_313 = arith.constant 0 : i32
    %dma_start3A_314 = tpu.memref_slice %arg6[%dma_start3A_303, %dma_start3A_312, %dma_start3A_313] : memref<4x16x1024xf32, #tpu.memory_space<vmem>> -> memref<1x16x1024xf32, #tpu.memory_space<vmem>>
    %dma_start3A_315 = tpu.memref_squeeze %dma_start3A_314 : memref<1x16x1024xf32, #tpu.memory_space<vmem>> -> memref<16x1024xf32, #tpu.memory_space<vmem>>
    tpu.enqueue_dma source(%dma_start3A_315 : memref<16x1024xf32, #tpu.memory_space<vmem>>) target(%dma_start3A_311 : memref<16x1024xf32, #tpu.memory_space<hbm>>) target_semaphore(%arg9 : memref<!tpu.dma_semaphore, #tpu.memory_space<semaphore_mem>>)
    %dma_wait3A_316 = arith.constant 3 : i32
    %dma_wait3A_317 = arith.constant 0 : i32
    %dma_wait3A_318 = arith.constant 0 : i32
    %dma_wait3A_319 = tpu.memref_slice %arg6[%dma_wait3A_316, %dma_wait3A_317, %dma_wait3A_318] : memref<4x16x1024xf32, #tpu.memory_space<vmem>> -> memref<1x16x1024xf32, #tpu.memory_space<vmem>>
    %dma_wait3A_320 = tpu.memref_squeeze %dma_wait3A_319 : memref<1x16x1024xf32, #tpu.memory_space<vmem>> -> memref<16x1024xf32, #tpu.memory_space<vmem>>
    %dma_wait3A_321 = arith.constant 112 : i32
    %dma_wait3A_322 = tpu.memref_slice %arg5[%dma_wait3A_321] : memref<128xi32, #tpu.memory_space<vmem>> -> memref<16xi32, #tpu.memory_space<vmem>>
    %dma_wait3A_323 = arith.constant 0 : i32
    %dma_wait3A_324 = arith.constant 0 : i32
    %dma_wait3A_325 = tpu.memref_slice %arg2[%dma_wait3A_323, %dma_wait3A_324] : memref<1001x1024xf32, #tpu.memory_space<hbm>> -> memref<1001x1024xf32, #tpu.memory_space<hbm>>
    tpu.wait_indirect_dma semaphore(%arg8 : memref<!tpu.dma_semaphore, #tpu.memory_space<semaphore_mem>>) src(%dma_wait3A_325 : memref<1001x1024xf32, #tpu.memory_space<hbm>>) dst(%dma_wait3A_320 : memref<16x1024xf32, #tpu.memory_space<vmem>>)
    %add3A_326 = arith.constant 112 : i32
    %add3A_327 = arith.addi %mul3A_2, %add3A_326 : i32
    %dma_start3A_328 = arith.constant 3 : i32
    %dma_start3A_329 = arith.constant 0 : i32
    %dma_start3A_330 = arith.constant 0 : i32
    %dma_start3A_331 = tpu.memref_slice %arg6[%dma_start3A_328, %dma_start3A_329, %dma_start3A_330] : memref<4x16x1024xf32, #tpu.memory_space<vmem>> -> memref<1x16x1024xf32, #tpu.memory_space<vmem>>
    %dma_start3A_332 = tpu.memref_squeeze %dma_start3A_331 : memref<1x16x1024xf32, #tpu.memory_space<vmem>> -> memref<16x1024xf32, #tpu.memory_space<vmem>>
    %dma_start3A_333 = arith.constant 0 : i32
    %dma_start3A_334 = tpu.memref_slice %arg4[%add3A_327, %dma_start3A_333] : memref<4096x1024xf32, #tpu.memory_space<hbm>> -> memref<16x1024xf32, #tpu.memory_space<hbm>>
    %dma_start3A_335 = arith.constant 0 : i32
    %dma_start3A_336 = tpu.memref_slice %arg4[%add3A_327, %dma_start3A_335] : memref<4096x1024xf32, #tpu.memory_space<hbm>> -> memref<16x1024xf32, #tpu.memory_space<hbm>>
    %dma_start3A_337 = arith.constant 0 : i32
    %dma_start3A_338 = arith.constant 0 : i32
    %dma_start3A_339 = tpu.memref_slice %arg6[%dma_start3A_328, %dma_start3A_337, %dma_start3A_338] : memref<4x16x1024xf32, #tpu.memory_space<vmem>> -> memref<1x16x1024xf32, #tpu.memory_space<vmem>>
    %dma_start3A_340 = tpu.memref_squeeze %dma_start3A_339 : memref<1x16x1024xf32, #tpu.memory_space<vmem>> -> memref<16x1024xf32, #tpu.memory_space<vmem>>
    tpu.enqueue_dma source(%dma_start3A_340 : memref<16x1024xf32, #tpu.memory_space<vmem>>) target(%dma_start3A_336 : memref<16x1024xf32, #tpu.memory_space<hbm>>) target_semaphore(%arg10 : memref<!tpu.dma_semaphore, #tpu.memory_space<semaphore_mem>>)
    %add3A_341 = arith.constant 64 : i32
    %add3A_342 = arith.addi %mul3A_2, %add3A_341 : i32
    %dma_wait3A_343 = arith.constant 0 : i32
    %dma_wait3A_344 = arith.constant 0 : i32
    %dma_wait3A_345 = arith.constant 0 : i32
    %dma_wait3A_346 = tpu.memref_slice %arg6[%dma_wait3A_343, %dma_wait3A_344, %dma_wait3A_345] : memref<4x16x1024xf32, #tpu.memory_space<vmem>> -> memref<1x16x1024xf32, #tpu.memory_space<vmem>>
    %dma_wait3A_347 = tpu.memref_squeeze %dma_wait3A_346 : memref<1x16x1024xf32, #tpu.memory_space<vmem>> -> memref<16x1024xf32, #tpu.memory_space<vmem>>
    %dma_wait3A_348 = arith.constant 0 : i32
    %dma_wait3A_349 = tpu.memref_slice %arg4[%add3A_342, %dma_wait3A_348] : memref<4096x1024xf32, #tpu.memory_space<hbm>> -> memref<16x1024xf32, #tpu.memory_space<hbm>>
    %dma_wait3A_350 = arith.constant 0 : i32
    %dma_wait3A_351 = tpu.memref_slice %arg4[%add3A_342, %dma_wait3A_350] : memref<4096x1024xf32, #tpu.memory_space<hbm>> -> memref<16x1024xf32, #tpu.memory_space<hbm>>
    %dma_wait3A_352 = arith.constant 0 : i32
    %dma_wait3A_353 = arith.constant 0 : i32
    %dma_wait3A_354 = tpu.memref_slice %arg6[%dma_wait3A_343, %dma_wait3A_352, %dma_wait3A_353] : memref<4x16x1024xf32, #tpu.memory_space<vmem>> -> memref<1x16x1024xf32, #tpu.memory_space<vmem>>
    %dma_wait3A_355 = tpu.memref_squeeze %dma_wait3A_354 : memref<1x16x1024xf32, #tpu.memory_space<vmem>> -> memref<16x1024xf32, #tpu.memory_space<vmem>>
    tpu.wait_dma2 semaphore(%arg9 : memref<!tpu.dma_semaphore, #tpu.memory_space<semaphore_mem>>) src(%dma_wait3A_355 : memref<16x1024xf32, #tpu.memory_space<vmem>>) dst(%dma_wait3A_351 : memref<16x1024xf32, #tpu.memory_space<hbm>>)
    %add3A_356 = arith.constant 80 : i32
    %add3A_357 = arith.addi %mul3A_2, %add3A_356 : i32
    %dma_wait3A_358 = arith.constant 1 : i32
    %dma_wait3A_359 = arith.constant 0 : i32
    %dma_wait3A_360 = arith.constant 0 : i32
    %dma_wait3A_361 = tpu.memref_slice %arg6[%dma_wait3A_358, %dma_wait3A_359, %dma_wait3A_360] : memref<4x16x1024xf32, #tpu.memory_space<vmem>> -> memref<1x16x1024xf32, #tpu.memory_space<vmem>>
    %dma_wait3A_362 = tpu.memref_squeeze %dma_wait3A_361 : memref<1x16x1024xf32, #tpu.memory_space<vmem>> -> memref<16x1024xf32, #tpu.memory_space<vmem>>
    %dma_wait3A_363 = arith.constant 0 : i32
    %dma_wait3A_364 = tpu.memref_slice %arg4[%add3A_357, %dma_wait3A_363] : memref<4096x1024xf32, #tpu.memory_space<hbm>> -> memref<16x1024xf32, #tpu.memory_space<hbm>>
    %dma_wait3A_365 = arith.constant 0 : i32
    %dma_wait3A_366 = tpu.memref_slice %arg4[%add3A_357, %dma_wait3A_365] : memref<4096x1024xf32, #tpu.memory_space<hbm>> -> memref<16x1024xf32, #tpu.memory_space<hbm>>
    %dma_wait3A_367 = arith.constant 0 : i32
    %dma_wait3A_368 = arith.constant 0 : i32
    %dma_wait3A_369 = tpu.memref_slice %arg6[%dma_wait3A_358, %dma_wait3A_367, %dma_wait3A_368] : memref<4x16x1024xf32, #tpu.memory_space<vmem>> -> memref<1x16x1024xf32, #tpu.memory_space<vmem>>
    %dma_wait3A_370 = tpu.memref_squeeze %dma_wait3A_369 : memref<1x16x1024xf32, #tpu.memory_space<vmem>> -> memref<16x1024xf32, #tpu.memory_space<vmem>>
    tpu.wait_dma2 semaphore(%arg10 : memref<!tpu.dma_semaphore, #tpu.memory_space<semaphore_mem>>) src(%dma_wait3A_370 : memref<16x1024xf32, #tpu.memory_space<vmem>>) dst(%dma_wait3A_366 : memref<16x1024xf32, #tpu.memory_space<hbm>>)
    %add3A_371 = arith.constant 96 : i32
    %add3A_372 = arith.addi %mul3A_2, %add3A_371 : i32
    %dma_wait3A_373 = arith.constant 2 : i32
    %dma_wait3A_374 = arith.constant 0 : i32
    %dma_wait3A_375 = arith.constant 0 : i32
    %dma_wait3A_376 = tpu.memref_slice %arg6[%dma_wait3A_373, %dma_wait3A_374, %dma_wait3A_375] : memref<4x16x1024xf32, #tpu.memory_space<vmem>> -> memref<1x16x1024xf32, #tpu.memory_space<vmem>>
    %dma_wait3A_377 = tpu.memref_squeeze %dma_wait3A_376 : memref<1x16x1024xf32, #tpu.memory_space<vmem>> -> memref<16x1024xf32, #tpu.memory_space<vmem>>
    %dma_wait3A_378 = arith.constant 0 : i32
    %dma_wait3A_379 = tpu.memref_slice %arg4[%add3A_372, %dma_wait3A_378] : memref<4096x1024xf32, #tpu.memory_space<hbm>> -> memref<16x1024xf32, #tpu.memory_space<hbm>>
    %dma_wait3A_380 = arith.constant 0 : i32
    %dma_wait3A_381 = tpu.memref_slice %arg4[%add3A_372, %dma_wait3A_380] : memref<4096x1024xf32, #tpu.memory_space<hbm>> -> memref<16x1024xf32, #tpu.memory_space<hbm>>
    %dma_wait3A_382 = arith.constant 0 : i32
    %dma_wait3A_383 = arith.constant 0 : i32
    %dma_wait3A_384 = tpu.memref_slice %arg6[%dma_wait3A_373, %dma_wait3A_382, %dma_wait3A_383] : memref<4x16x1024xf32, #tpu.memory_space<vmem>> -> memref<1x16x1024xf32, #tpu.memory_space<vmem>>
    %dma_wait3A_385 = tpu.memref_squeeze %dma_wait3A_384 : memref<1x16x1024xf32, #tpu.memory_space<vmem>> -> memref<16x1024xf32, #tpu.memory_space<vmem>>
    tpu.wait_dma2 semaphore(%arg9 : memref<!tpu.dma_semaphore, #tpu.memory_space<semaphore_mem>>) src(%dma_wait3A_385 : memref<16x1024xf32, #tpu.memory_space<vmem>>) dst(%dma_wait3A_381 : memref<16x1024xf32, #tpu.memory_space<hbm>>)
    %add3A_386 = arith.constant 112 : i32
    %add3A_387 = arith.addi %mul3A_2, %add3A_386 : i32
    %dma_wait3A_388 = arith.constant 3 : i32
    %dma_wait3A_389 = arith.constant 0 : i32
    %dma_wait3A_390 = arith.constant 0 : i32
    %dma_wait3A_391 = tpu.memref_slice %arg6[%dma_wait3A_388, %dma_wait3A_389, %dma_wait3A_390] : memref<4x16x1024xf32, #tpu.memory_space<vmem>> -> memref<1x16x1024xf32, #tpu.memory_space<vmem>>
    %dma_wait3A_392 = tpu.memref_squeeze %dma_wait3A_391 : memref<1x16x1024xf32, #tpu.memory_space<vmem>> -> memref<16x1024xf32, #tpu.memory_space<vmem>>
    %dma_wait3A_393 = arith.constant 0 : i32
    %dma_wait3A_394 = tpu.memref_slice %arg4[%add3A_387, %dma_wait3A_393] : memref<4096x1024xf32, #tpu.memory_space<hbm>> -> memref<16x1024xf32, #tpu.memory_space<hbm>>
    %dma_wait3A_395 = arith.constant 0 : i32
    %dma_wait3A_396 = tpu.memref_slice %arg4[%add3A_387, %dma_wait3A_395] : memref<4096x1024xf32, #tpu.memory_space<hbm>> -> memref<16x1024xf32, #tpu.memory_space<hbm>>
    %dma_wait3A_397 = arith.constant 0 : i32
    %dma_wait3A_398 = arith.constant 0 : i32
    %dma_wait3A_399 = tpu.memref_slice %arg6[%dma_wait3A_388, %dma_wait3A_397, %dma_wait3A_398] : memref<4x16x1024xf32, #tpu.memory_space<vmem>> -> memref<1x16x1024xf32, #tpu.memory_space<vmem>>
    %dma_wait3A_400 = tpu.memref_squeeze %dma_wait3A_399 : memref<1x16x1024xf32, #tpu.memory_space<vmem>> -> memref<16x1024xf32, #tpu.memory_space<vmem>>
    tpu.wait_dma2 semaphore(%arg10 : memref<!tpu.dma_semaphore, #tpu.memory_space<semaphore_mem>>) src(%dma_wait3A_400 : memref<16x1024xf32, #tpu.memory_space<vmem>>) dst(%dma_wait3A_396 : memref<16x1024xf32, #tpu.memory_space<hbm>>)
    return
  }
}

</mosaic_0001>

<sc_bundles>
// kernel: kernel.3.cloned.1.call-start
scs
__scs_entry_jumppad:
0x0: {  	(pc) =	sbr.rel $0x88, $3  }
0x1: {  	(tag) =	ssettag $0x0;
	lr =	simm.s32 $0x1  }
0x2: {  	[smem:$0x3F9F] =	sst lr;
	_ =	strace $0xD0000000  }
0x3: {  	_ = 	snop  }
0x4: {  	_ = 	snop  }
0x5: {  	_ = 	snop  }
0x6: {  	_ = 	snop  }
0x7: {  	_ = 	snop  }
__scs_overlays_trampoline_lowered:
0x8: {  	[smem:$0x3FAE] =	sst s0  }
0x9: {  	[smem:$0x3FAF] =	sst s1  }
0xa: {  	[smem:$0x3FB0] =	sst s2  }
0xb: {  	[smem:$0x3FB1] =	sst s3  }
0xc: {  	[smem:$0x3FB2] =	sst s4  }
0xd: {  	[smem:$0x3FB3] =	sst s5  }
0xe: {  	[smem:$0x3FB4] =	sst s6  }
0xf: {  	[smem:$0x3FB5] =	sst s7  }
0x10: {  	[smem:$0x3FB6] =	sst s8  }
0x11: {  	[smem:$0x3FB7] =	sst s9;
	s0 =	simm.s32 @!p0 $0x0  }
0x12: {  	s1 =	sld [smem:$0x3F9D];
	s0 =	simm.s32 @p0 $0x1  }
0x13: {  	[smem:$0x3FB8] =	sst s0;
	s0 =	simm.s32 @!p1 $0x0  }
0x14: {  	s2 =	sld [smem:$0x3F9C];
	s0 =	simm.s32 @p1 $0x1  }
0x15: {  	[smem:$0x3FB9] =	sst s0;
	s0 =	simm.s32 @!p2 $0x0  }
0x16: {  	s3 =	sld [smem:$0x3FDB];
	s0 =	simm.s32 @p2 $0x1  }
0x17: {  	s4 =	simm.s32 $0x1BF5;
	[smem:$0x3FBB] =	sst s0  }
0x18: {  	s0 =	sld [smem:$0x3F9E];
	_ =	swait.ge [sflag:s4], $0x0  }
0x19: {  	s7 =	sld [smem:$0x3F9F]  }
0x1a: {  	s8 =	sadd.s32 $0xFFFFE003, lr  }
0x1b: {  	s9 =	sadd.s32 $0xFFFFFEF7, lr;
	s5 =	simm.s32 $0xFFFFFFFF;
	p2 =	slt.u32 s8, $0xFFFFF086  }
0x1c: {  	p1 =	slt.u32 s9, $0xF7A;
	s5 =	simm.s32 @!p2 $0x0  }
0x1d: {  	s5 =	simm.s32 @p1 $0x1;
	p0 =	seq.s32 s7, s2  }
0x1e: {  	s7 =	smul.u32 @!p0 $0xF7A, s2;
	p2 =	seq.s32 @!p0 s5, $0x0  }
0x1f: {  	s9 =	smul.u32 $0xF7A, s1;
	s8 =	simm.s32 @!p0 $0x1BF5;
	p2 =	por !p2, p0  }
0x20: {  	[sflag:s8] =	ssyncset.s32 @!p0 $0xFFFFF086;
	s6 =	sadd.s32 @!p0 s3, s7;
	s7 =	simm.s32 @!p0 $0x108  }
0x21: {  	s3 =	sadd.s32 s3, s9;
	s6 =	sadd.s32 @!p0 $0x88, s6;
	s7 =	simm.s32 @p2 $0x1082  }
0x22: {  	[simem:s7], [sflag:s8] =	dma.local @!p0 [hbm:s6], $0xF7A  }
0x23: {  	s9 =	sor.u32 $0xD0000000, s2;
	s6 =	simm.s32 $0x108;
	_ =	swait.ge @!p0 [sflag:s8], $0x0  }
0x24: {  	s3 =	sadd.s32 $0x88, s3;
	s6 =	simm.s32 @!p1 $0x1082;
	[sflag:s4] =	ssyncset.s32 $0xFFFFF086  }
0x25: {  	[simem:s6], [sflag:s4] =	dma.local [hbm:s3], $0xF7A  }
0x26: {  	[smem:$0x3F9F] =	sst s1;
	(tag) =	ssettag s2;
	_ =	strace s9  }
0x27: {  	s1 =	sld [smem:$0x3FAF]  }
0x28: {  	s2 =	sld [smem:$0x3FB0]  }
0x29: {  	s4 =	sld [smem:$0x3FB2]  }
0x2a: {  	p0 =	seq.s32 s5, $0x0;
	s5 =	sld [smem:$0x3FB3]  }
0x2b: {  	s6 =	sld [smem:$0x3FB4]  }
0x2c: {  	s7 =	sld [smem:$0x3FB5]  }
0x2d: {  	s3 =	simm.s32 $0x108;
	s8 =	sld [smem:$0x3FB6]  }
0x2e: {  	s3 =	simm.s32 @!p0 $0x1082;
	s9 =	sld [smem:$0x3FB7]  }
0x2f: {  	lr =	sadd.s32 s0, s3;
	s0 =	sld [smem:$0x3FAE]  }
0x30: {  	s3 =	sld [smem:$0x3FB1]  }
0x31: {  	[smem:$0x3FBA] =	sst s10  }
0x32: {  	s10 =	sld [smem:$0x3FB8];
	_ =	sdelay $0x3  }
0x33: {  	p0 =	seq.s32 s10, $0x1;
	s10 =	sld [smem:$0x3FBA];
	_ =	sdelay $0x3  }
0x34: {  	[smem:$0x3FBA] =	sst s10  }
0x35: {  	s10 =	sld [smem:$0x3FB9];
	_ =	sdelay $0x3  }
0x36: {  	p1 =	seq.s32 s10, $0x1;
	s10 =	sld [smem:$0x3FBA];
	_ =	sdelay $0x3  }
0x37: {  	[smem:$0x3FBA] =	sst s10  }
0x38: {  	s10 =	sld [smem:$0x3FBB]  }
0x39: {  	_ = 	snop;
	(pc) =	sbr.ind lr, $3  }
0x3a: {  	_ = 	snop  }
0x3b: {  	_ = 	snop  }
0x3c: {  	p2 =	seq.s32 s10, $0x1;
	s10 =	sld [smem:$0x3FBA]  }
0x3d: {  	_ =	shalt  }
0x3e: {  	_ =	shalt  }
0x3f: {  	_ =	shalt  }
0x40: {  	_ =	shalt  }
0x41: {  	_ =	shalt  }
0x42: {  	_ =	shalt  }
0x43: {  	_ =	shalt  }
0x44: {  	_ =	shalt  }
0x45: {  	_ =	shalt  }
0x46: {  	_ =	shalt  }
0x47: {  	_ =	shalt  }
0x48: {  	_ =	shalt  }
0x49: {  	_ =	shalt  }
0x4a: {  	_ =	shalt  }
0x4b: {  	_ =	shalt  }
0x4c: {  	_ =	shalt  }
0x4d: {  	_ =	shalt  }
0x4e: {  	_ =	shalt  }
0x4f: {  	_ =	shalt  }
0x50: {  	_ =	shalt  }
0x51: {  	_ =	shalt  }
0x52: {  	_ =	shalt  }
0x53: {  	_ =	shalt  }
0x54: {  	_ =	shalt  }
0x55: {  	_ =	shalt  }
0x56: {  	_ =	shalt  }
0x57: {  	_ =	shalt  }
0x58: {  	_ =	shalt  }
0x59: {  	_ =	shalt  }
0x5a: {  	_ =	shalt  }
0x5b: {  	_ =	shalt  }
0x5c: {  	_ =	shalt  }
0x5d: {  	_ =	shalt  }
0x5e: {  	_ =	shalt  }
0x5f: {  	_ =	shalt  }
0x60: {  	_ =	shalt  }
0x61: {  	_ =	shalt  }
0x62: {  	_ =	shalt  }
0x63: {  	_ =	shalt  }
0x64: {  	_ =	shalt  }
0x65: {  	_ =	shalt  }
0x66: {  	_ =	shalt  }
0x67: {  	_ =	shalt  }
0x68: {  	_ =	shalt  }
0x69: {  	_ =	shalt  }
0x6a: {  	_ =	shalt  }
0x6b: {  	_ =	shalt  }
0x6c: {  	_ =	shalt  }
0x6d: {  	_ =	shalt  }
0x6e: {  	_ =	shalt  }
0x6f: {  	_ =	shalt  }
0x70: {  	_ =	shalt  }
0x71: {  	_ =	shalt  }
0x72: {  	_ =	shalt  }
0x73: {  	_ =	shalt  }
0x74: {  	_ =	shalt  }
0x75: {  	_ =	shalt  }
0x76: {  	_ =	shalt  }
0x77: {  	_ =	shalt  }
0x78: {  	_ =	shalt  }
0x79: {  	_ =	shalt  }
0x7a: {  	_ =	shalt  }
0x7b: {  	_ =	shalt  }
0x7c: {  	_ =	shalt  }
0x7d: {  	_ =	shalt  }
0x7e: {  	_ =	shalt  }
0x7f: {  	_ =	shalt  }
0x80: {  	_ =	shalt  }
0x81: {  	_ =	shalt  }
0x82: {  	_ =	shalt  }
0x83: {  	_ =	shalt  }
0x84: {  	_ =	shalt  }
0x85: {  	_ =	shalt  }
0x86: {  	_ =	shalt  }
0x87: {  	_ =	shalt  }
.Lfunc_end0:
.L_simem_size_0:
called_computation_lowered:
.L_overlay_start_0:
0x88: {  	s2 =	sld [smem:$0x3FD9]  }
0x89: {  	s3 =	sld [smem:$0x3FFE];
	_ =	sdelay $0x1  }
0x8a: {  	s1 =	srdreg.scid  }
0x8b: {  	s0 =	sand.u32 $0x1, s1  }
0x8c: {  	s18 =	sshll.u32 s0, $0xA;
	s2 =	sadd.s32 s3, s2  }
0x8d: {  	s2 =	sadd.s32 s2, s18  }
0x8e: {  	[smem:$0x3FC6] =	sst s2  }
0x8f: {  	_ = 	snop  }
0x90: {  	s2 =	sld [smem:$0x3FC9]  }
0x91: {  	s19 =	sld [smem:$0x3FC8]  }
0x92: {  	s4 =	sld [smem:$0x3FD0];
	(tm) =	ssettm $0x1  }
0x93: {  	s5 =	sld [smem:$0x3FFB];
	_ =	sdelay $0x3  }
0x94: {  	_ =	strace s5  }
0x95: {  	s5 =	sld [smem:$0x3FFC];
	_ =	sdelay $0x3  }
0x96: {  	_ =	strace s5  }
0x97: {  	s5 =	sld [smem:$0x3FFD];
	_ =	sdelay $0x3  }
0x98: {  	_ =	strace s5  }
0x99: {  	_ =	strace $0x8FFFFFFF  }
0x9a: {  	s20 =	sld [smem:$0x3FDB];
	_ =	sdelay $0x1  }
0x9b: {  	s6 =	simm.s32 $_scs_section_size  }
0x9c: {  	s7 =	simm.s32 $_size__tile_overlayer_lowered;
	s8 =	simm.s32 $_tile_overlayer_lowered  }
0x9d: {  	s23 =	simm.s32 $0x1BFF;
	s22 =	sshll.u32 s8, $0x1;
	s5 =	sadd.s32 s6, s20  }
0x9e: {  	s9 =	simm.s32 $0x0;
	s21 =	sshll.u32 s7, $0x1;
	s7 =	sadd.s32 s22, s5  }
0x9f: {  	[timem:s9], [sflag:s23] =	dma.local [hbm:s7], s21  }
0xa0: {  	_ =	swait.ge [sflag:s23], s21  }
0xa1: {  	s6 =	ssub.s32 $0x0, s21;
	[sflag:s23] =	ssyncset.done $0x0  }
0xa2: {  	[sflag:s23] =	ssyncadd.s32 s6;
	_ =	sdelay $0x1  }
0xa3: {  	s24 =	simm.s32 $0x1B8B  }
0xa4: {  	_ =	swait.ge [sflag:s24], $0x1  }
0xa5: {  	[sflag:s24] =	ssyncset.done $0x0  }
0xa6: {  	s25 =	simm.s32 $0x1B8E;
	[sflag:s24] =	ssyncadd.s32 $0xFFFFFFFF  }
0xa7: {  	s26 =	simm.s32 $execute0_lowered;
	[smem:$0x3FD2] =	sst s25  }
0xa8: {  	s6 =	sshll.u32 s26, $0x1;
	_ =	strace $0x80000046;
	[dreg:$0x1] =	wrdreg $0xFFFFFFFF  }
0xa9: {  	s28 =	simm.s32 $_size_execute0_lowered;
	s5 =	sadd.s32 s5, s6;
	[dreg:$0x0] =	wrdreg $0x0  }
0xaa: {  	s6 =	sshll.u32 s28, $0x1;
	[dreg:$0x2] =	wrdreg s5  }
0xab: {  	[dreg:$0x3] =	wrdreg s6  }
0xac: {  	[dreg:$0x4] =	wrdreg $0xC0  }
0xad: {  	_ =	task [dreg:s9], $0x5FFFF  }
0xae: {  	[dreg:$0x1] =	wrdreg $0xFFFFFFFF  }
0xaf: {  	[dreg:$0x0] =	wrdreg $0x60  }
0xb0: {  	[dreg:$0x2] =	wrdreg s19  }
0xb1: {  	[dreg:$0x3] =	wrdreg s2  }
0xb2: {  	[dreg:$0x4] =	wrdreg s4  }
0xb3: {  	[dreg:$0x5] =	wrdreg $0x9  }
0xb4: {  	_ =	task.clear_ibuf [dreg:s9], $0x6FFFF;
	_ =	strace $0x90000046  }
0xb5: {  	s29 =	simm.s32 $0x9;
	_ =	strace $0x80000048  }
0xb6: {  	_ =	swait.ge [sflag:s29], $0x1  }
0xb7: {  	[sflag:s29] =	ssyncadd.s32 $0xFFFFFFFF  }
0xb8: {  	_ =	strace $0x90000048  }
0xb9: {  	_ =	sfence  }
0xba: {  	s30 =	sld [smem:$0x0];
	_ =	sdelay $0x2  }
0xbb: {  	s31 =	sshll.u32 s1, $0xD;
	s1 =	sshrl.u32 s1, $0x2  }
0xbc: {  	s3 =	sand.u32 $0x4000, s31;
	s1 =	sadd.s32 s1, s30  }
0xbd: {  	s0 =	sor.u32 s3, s0;
	s1 =	sshll.u32 s1, $0x11  }
0xbe: {  	s0 =	sor.u32 s1, s0  }
0xbf: {  	s0 =	sadd.s32 $0x8F2B, s0  }
0xc0: {  	[sflag:s0] =	ssyncadd.remote.s32 $0x1  }
0xc1: {  	_ =	sfence.sel $0xFFFF  }
0xc2: {  	[dreg:$0x0] =	wrdreg $0xFFFFFFFF;
	(pc) =	sbr.abs _section_cstart, $3  }
0xc3: {  	[dreg:$0x1] =	wrdreg $0xFFFFFFFF  }
0xc4: {  	_ =	task.clear_ibuf [dreg:s9], $0x2FFFF;
	_ =	strace $0x9FFFFFFF  }
0xc5: {  	(tm) =	ssettm $0x7FFFFFFF  }
tec
execute0_lowered:
.L_overlay_start_1:
0x0: {  	(tag) =	ssettag $0x1  }
0x1: {  	s1 =	rddreg [dreg:$0x0];
	s0 =	srdreg.scid  }
0x2: {  	s2 =	rddreg [dreg:$0x1];
	s3 =	stileid.u32  }
0x3: {  	s4 =	rddreg [dreg:$0x2];
	s12 =	simm.s32 $0x1;
	s18 =	simm.s32 $0x80  }
0x4: {  	s28 =	simm.s32 $0x880;
	s29 =	simm.s32 $0x1080;
	s30 =	simm.s32 $0x1880  }
0x5: {  	s31 =	simm.s32 $0x2080;
	s11 =	simm.s32 $0x3880;
	s14 =	simm.s32 $0x4880  }
0x6: {  	s15 =	simm.s32 $0x5080;
	s16 =	simm.s32 $0x5880;
	s0 =	sand.u32 $0x1, s0  }
0x7: {  	s17 =	simm.s32 $0x6080;
	s5 =	sshll.u32 s3, $0x8;
	s6 =	sshll.u32 s0, $0x7  }
0x8: {  	s9 =	simm.s32 $0x6880;
	s13 =	simm.s32 $0x8080;
	s5 =	sor.u32 s6, s5  }
0x9: {  	s10 =	simm.s32 $0x9880;
	s3 =	simm.s32 $0x0;
	s6 =	sshrl.u32 s5, $0x3  }
0xa: {  	[smem:$0x7FF] =	sst s3;
	s5 =	sshll.u32 s5, $0x7;
	s2 =	sadd.s32 s2, s6  }
0xb: {  	_ =	strace $0x80000047;
	s4 =	sadd.s32 s4, s5;
	[dreg:$0x4] =	wrdreg s2  }
0xc: {  	s7 =	sadd.s32 $0x300, s1;
	s19 =	sadd.s32 $0x800, s4;
	[dreg:$0xc] =	wrdreg s4  }
0xd: {  	s0 =	ssub.s32 $0x2, s0;
	s20 =	sadd.s32 $0x1000, s4;
	[dreg:$0x5] =	wrdreg s19  }
0xe: {  	s21 =	sshrl.u32 s0, $0x1;
	s22 =	sadd.s32 $0x1800, s4;
	[dreg:$0x6] =	wrdreg s20  }
0xf: {  	s0 =	ssub.s32 s0, s21;
	s23 =	sadd.s32 $0x2000, s4;
	[dreg:$0x7] =	wrdreg s22  }
0x10: {  	s21 =	simm.s32 $0x8880;
	s24 =	sadd.s32 $0x2800, s4;
	[dreg:$0x8] =	wrdreg s23  }
0x11: {  	s5 =	sadd.s32 $0x100, s1;
	s25 =	sadd.s32 $0x3000, s4;
	[dreg:$0x9] =	wrdreg s24  }
0x12: {  	s6 =	sadd.s32 $0x200, s1;
	s26 =	sadd.s32 $0x3800, s4;
	[dreg:$0xa] =	wrdreg s25  }
0x13: {  	v2 =	vlaneseq.u32;
	s8 =	smax.u32 s0, $0x1;
	s4 =	simm.s32 $0x3080;
	[dreg:$0xb] =	wrdreg s26  }
0x14: {  	vm0 =	vmmov $0xffff;
	v1 =	vshrl.u32 v2, $0x3;
	s22 =	simm.s32 $0x2;
	s23 =	simm.s32 $0x3;
	s24 =	simm.s32 $0x4  }
0x15: {  	v0 =	vand.u32 $0x7, v2;
	v2 =	vor.u32 $0x8, v2;
	v1 =	vmul.u32 $0x8, v1;
	s26 =	simm.s32 $0x4080;
	s19 =	simm.s32 $0x7080;
	s20 =	simm.s32 $0x7880  }
.LBB2_1:
0x16: {  	s25 =	rddreg [dreg:$0x4];
	s0 =	simm.s32 $0x5  }
0x17: {  	[tilespmem:s3], [sflag:$0x5] =	stream.linear.gather [hbm4b:s25+s3], $0x80, $0x38;
	[tilespmem:$0x10080] =	vst v63  }
0x18: {  	_ =	swait.ge [sflag:s0], $0x80  }
0x19: {  	[sflag:s0] =	ssyncset.done $0x0  }
0x1a: {  	[sflag:s0] =	ssyncadd.s32 $0xFFFFFF80  }
0x1b: {  	v3 =	vld [tilespmem:$0x0];
	_ =	sdelay $0x4  }
0x1c: {  	v4 =	vshll.u32 v3, $0x3  }
0x1d: {  	v3 =	vand.u32 $0x7, v3;
	v4 =	vand.u32 $0xFFFFFFC0, v4  }
0x1e: {  	v3 =	vor.u32 v3, v4  }
0x1f: {  	v4 =	vperm.xlane v3, v0;
	_ =	sdelay $0x1  }
0x20: {  	v4 =	vadd.s32 v1, v4;
	_ =	sdelay $0x4  }
0x21: {  	[tilespmem:s18], [sflag:$0x1] =	stream.indirect_vreg.gather [hbm4b:s1+s3], $0x80, v4, vm0, $0xb8;
	[tilespmem:$0x10080] =	vst v63  }
0x22: {  	v3 =	vperm.xlane v3, v2  }
0x23: {  	[tilespmem:s28], [sflag:$0x1] =	stream.indirect_vreg.gather [hbm4b:s5+s3], $0x80, v4, vm0, $0xb8;
	[tilespmem:$0x10080] =	vst v63  }
0x24: {  	v3 =	vadd.s32 v1, v3  }
0x25: {  	[tilespmem:s29], [sflag:$0x1] =	stream.indirect_vreg.gather [hbm4b:s6+s3], $0x80, v4, vm0, $0xb8;
	[tilespmem:$0x10080] =	vst v63  }
0x26: {  	_ = 	snop  }
0x27: {  	[tilespmem:s30], [sflag:$0x1] =	stream.indirect_vreg.gather [hbm4b:s7+s3], $0x80, v4, vm0, $0xb8;
	[tilespmem:$0x10080] =	vst v63  }
0x28: {  	_ = 	snop  }
0x29: {  	[tilespmem:s31], [sflag:$0x1] =	stream.indirect_vreg.gather [hbm4b:s1+s3], $0x80, v3, vm0, $0xb8;
	[tilespmem:$0x10080] =	vst v63  }
0x2a: {  	s2 =	simm.s32 $0x2880  }
0x2b: {  	[tilespmem:s2], [sflag:$0x1] =	stream.indirect_vreg.gather [hbm4b:s5+s3], $0x80, v3, vm0, $0xb8;
	[tilespmem:$0x10080] =	vst v63  }
0x2c: {  	_ = 	snop  }
0x2d: {  	[tilespmem:s4], [sflag:$0x1] =	stream.indirect_vreg.gather [hbm4b:s6+s3], $0x80, v3, vm0, $0xb8;
	[tilespmem:$0x10080] =	vst v63  }
0x2e: {  	_ = 	snop  }
0x2f: {  	[tilespmem:s11], [sflag:$0x1] =	stream.indirect_vreg.gather [hbm4b:s7+s3], $0x80, v3, vm0, $0xb8;
	[tilespmem:$0x10080] =	vst v63  }
0x30: {  	v3 =	vld [tilespmem:$0x10];
	_ =	sdelay $0x4  }
0x31: {  	v57 =	vshll.u32 v3, $0x3  }
0x32: {  	v3 =	vand.u32 $0x7, v3;
	v4 =	vand.u32 $0xFFFFFFC0, v57  }
0x33: {  	v3 =	vor.u32 v3, v4  }
0x34: {  	v4 =	vperm.xlane v3, v0;
	_ =	sdelay $0x1  }
0x35: {  	v4 =	vadd.s32 v1, v4;
	_ =	sdelay $0x4  }
0x36: {  	[tilespmem:s26], [sflag:$0x2] =	stream.indirect_vreg.gather [hbm4b:s1+s3], $0x80, v4, vm0, $0xb8;
	[tilespmem:$0x10080] =	vst v63  }
0x37: {  	v3 =	vperm.xlane v3, v2  }
0x38: {  	[tilespmem:s14], [sflag:$0x2] =	stream.indirect_vreg.gather [hbm4b:s5+s3], $0x80, v4, vm0, $0xb8;
	[tilespmem:$0x10080] =	vst v63  }
0x39: {  	v3 =	vadd.s32 v1, v3  }
0x3a: {  	[tilespmem:s15], [sflag:$0x2] =	stream.indirect_vreg.gather [hbm4b:s6+s3], $0x80, v4, vm0, $0xb8;
	[tilespmem:$0x10080] =	vst v63  }
0x3b: {  	_ = 	snop  }
0x3c: {  	[tilespmem:s16], [sflag:$0x2] =	stream.indirect_vreg.gather [hbm4b:s7+s3], $0x80, v4, vm0, $0xb8;
	[tilespmem:$0x10080] =	vst v63  }
0x3d: {  	_ = 	snop  }
0x3e: {  	[tilespmem:s17], [sflag:$0x2] =	stream.indirect_vreg.gather [hbm4b:s1+s3], $0x80, v3, vm0, $0xb8;
	[tilespmem:$0x10080] =	vst v63  }
0x3f: {  	_ = 	snop  }
0x40: {  	[tilespmem:s9], [sflag:$0x2] =	stream.indirect_vreg.gather [hbm4b:s5+s3], $0x80, v3, vm0, $0xb8;
	[tilespmem:$0x10080] =	vst v63  }
0x41: {  	_ = 	snop  }
0x42: {  	[tilespmem:s19], [sflag:$0x2] =	stream.indirect_vreg.gather [hbm4b:s6+s3], $0x80, v3, vm0, $0xb8;
	[tilespmem:$0x10080] =	vst v63  }
0x43: {  	_ = 	snop  }
0x44: {  	[tilespmem:s20], [sflag:$0x2] =	stream.indirect_vreg.gather [hbm4b:s7+s3], $0x80, v3, vm0, $0xb8;
	[tilespmem:$0x10080] =	vst v63  }
0x45: {  	v3 =	vld [tilespmem:$0x20];
	_ =	sdelay $0x4  }
0x46: {  	v58 =	vshll.u32 v3, $0x3  }
0x47: {  	v3 =	vand.u32 $0x7, v3;
	v4 =	vand.u32 $0xFFFFFFC0, v58  }
0x48: {  	v3 =	vor.u32 v3, v4  }
0x49: {  	v4 =	vperm.xlane v3, v0;
	_ =	sdelay $0x1  }
0x4a: {  	v4 =	vadd.s32 v1, v4;
	_ =	sdelay $0x4  }
0x4b: {  	[tilespmem:s13], [sflag:$0x1] =	stream.indirect_vreg.gather [hbm4b:s1+s3], $0x80, v4, vm0, $0xb8;
	[tilespmem:$0x10080] =	vst v63  }
0x4c: {  	v3 =	vperm.xlane v3, v2  }
0x4d: {  	[tilespmem:s21], [sflag:$0x1] =	stream.indirect_vreg.gather [hbm4b:s5+s3], $0x80, v4, vm0, $0xb8;
	[tilespmem:$0x10080] =	vst v63  }
0x4e: {  	s25 =	simm.s32 $0x9080;
	v3 =	vadd.s32 v1, v3  }
0x4f: {  	[tilespmem:s25], [sflag:$0x1] =	stream.indirect_vreg.gather [hbm4b:s6+s3], $0x80, v4, vm0, $0xb8;
	[tilespmem:$0x10080] =	vst v63  }
0x50: {  	_ = 	snop  }
0x51: {  	[tilespmem:s10], [sflag:$0x1] =	stream.indirect_vreg.gather [hbm4b:s7+s3], $0x80, v4, vm0, $0xb8;
	[tilespmem:$0x10080] =	vst v63  }
0x52: {  	s25 =	simm.s32 $0xA080  }
0x53: {  	[tilespmem:s25], [sflag:$0x1] =	stream.indirect_vreg.gather [hbm4b:s1+s3], $0x80, v3, vm0, $0xb8;
	[tilespmem:$0x10080] =	vst v63  }
0x54: {  	s25 =	simm.s32 $0xA880  }
0x55: {  	[tilespmem:s25], [sflag:$0x1] =	stream.indirect_vreg.gather [hbm4b:s5+s3], $0x80, v3, vm0, $0xb8;
	[tilespmem:$0x10080] =	vst v63  }
0x56: {  	s25 =	simm.s32 $0xB080  }
0x57: {  	[tilespmem:s25], [sflag:$0x1] =	stream.indirect_vreg.gather [hbm4b:s6+s3], $0x80, v3, vm0, $0xb8;
	[tilespmem:$0x10080] =	vst v63  }
0x58: {  	s25 =	simm.s32 $0xB880  }
0x59: {  	[tilespmem:s25], [sflag:$0x1] =	stream.indirect_vreg.gather [hbm4b:s7+s3], $0x80, v3, vm0, $0xb8;
	[tilespmem:$0x10080] =	vst v63  }
0x5a: {  	_ =	swait.ge [sflag:s12], $0x4000  }
0x5b: {  	[sflag:s12] =	ssyncset.done $0x0  }
0x5c: {  	s0 =	rddreg [dreg:$0xc];
	[sflag:s12] =	ssyncadd.s32 $0xFFFFC000  }
0x5d: {  	[hbm4b:s0+s3] =	stream.linear.scatter [tilespmem:s18], [sflag:$0x3], $0x4000, $0x38;
	[tilespmem:$0x10080] =	vst v63  }
0x5e: {  	v3 =	vld [tilespmem:$0x30];
	_ =	sdelay $0x4  }
0x5f: {  	v59 =	vshll.u32 v3, $0x3  }
0x60: {  	v3 =	vand.u32 $0x7, v3;
	v4 =	vand.u32 $0xFFFFFFC0, v59  }
0x61: {  	v3 =	vor.u32 v3, v4  }
0x62: {  	v4 =	vperm.xlane v3, v0;
	_ =	sdelay $0x1  }
0x63: {  	v4 =	vadd.s32 v1, v4;
	_ =	sdelay $0x3  }
0x64: {  	s0 =	simm.s32 $0xC080  }
0x65: {  	[tilespmem:s0], [sflag:$0x2] =	stream.indirect_vreg.gather [hbm4b:s1+s3], $0x80, v4, vm0, $0xb8;
	[tilespmem:$0x10080] =	vst v63  }
0x66: {  	s25 =	simm.s32 $0xC880;
	v3 =	vperm.xlane v3, v2  }
0x67: {  	[tilespmem:s25], [sflag:$0x2] =	stream.indirect_vreg.gather [hbm4b:s5+s3], $0x80, v4, vm0, $0xb8;
	[tilespmem:$0x10080] =	vst v63  }
0x68: {  	v3 =	vadd.s32 v1, v3;
	s25 =	simm.s32 $0xD080  }
0x69: {  	[tilespmem:s25], [sflag:$0x2] =	stream.indirect_vreg.gather [hbm4b:s6+s3], $0x80, v4, vm0, $0xb8;
	[tilespmem:$0x10080] =	vst v63  }
0x6a: {  	s25 =	simm.s32 $0xD880  }
0x6b: {  	[tilespmem:s25], [sflag:$0x2] =	stream.indirect_vreg.gather [hbm4b:s7+s3], $0x80, v4, vm0, $0xb8;
	[tilespmem:$0x10080] =	vst v63  }
0x6c: {  	s25 =	simm.s32 $0xE080  }
0x6d: {  	[tilespmem:s25], [sflag:$0x2] =	stream.indirect_vreg.gather [hbm4b:s1+s3], $0x80, v3, vm0, $0xb8;
	[tilespmem:$0x10080] =	vst v63  }
0x6e: {  	s25 =	simm.s32 $0xE880  }
0x6f: {  	[tilespmem:s25], [sflag:$0x2] =	stream.indirect_vreg.gather [hbm4b:s5+s3], $0x80, v3, vm0, $0xb8;
	[tilespmem:$0x10080] =	vst v63  }
0x70: {  	s25 =	simm.s32 $0xF080  }
0x71: {  	[tilespmem:s25], [sflag:$0x2] =	stream.indirect_vreg.gather [hbm4b:s6+s3], $0x80, v3, vm0, $0xb8;
	[tilespmem:$0x10080] =	vst v63  }
0x72: {  	s25 =	simm.s32 $0xF880  }
0x73: {  	[tilespmem:s25], [sflag:$0x2] =	stream.indirect_vreg.gather [hbm4b:s7+s3], $0x80, v3, vm0, $0xb8;
	[tilespmem:$0x10080] =	vst v63  }
0x74: {  	_ =	swait.ge [sflag:s22], $0x4000  }
0x75: {  	[sflag:s22] =	ssyncset.done $0x0  }
0x76: {  	s25 =	rddreg [dreg:$0x5];
	[sflag:s22] =	ssyncadd.s32 $0xFFFFC000  }
0x77: {  	[hbm4b:s25+s3] =	stream.linear.scatter [tilespmem:s26], [sflag:$0x4], $0x4000, $0x38;
	[tilespmem:$0x10080] =	vst v63  }
0x78: {  	_ =	swait.ge [sflag:s23], $0x4000  }
0x79: {  	[sflag:s23] =	ssyncset.done $0x0  }
0x7a: {  	[sflag:s23] =	ssyncadd.s32 $0xFFFFC000  }
0x7b: {  	v3 =	vld [tilespmem:$0x40];
	_ =	sdelay $0x4  }
0x7c: {  	v60 =	vshll.u32 v3, $0x3  }
0x7d: {  	v3 =	vand.u32 $0x7, v3;
	v4 =	vand.u32 $0xFFFFFFC0, v60  }
0x7e: {  	v3 =	vor.u32 v3, v4  }
0x7f: {  	v4 =	vperm.xlane v3, v0;
	_ =	sdelay $0x1  }
0x80: {  	v4 =	vadd.s32 v1, v4;
	_ =	sdelay $0x4  }
0x81: {  	[tilespmem:s18], [sflag:$0x1] =	stream.indirect_vreg.gather [hbm4b:s1+s3], $0x80, v4, vm0, $0xb8;
	[tilespmem:$0x10080] =	vst v63  }
0x82: {  	v3 =	vperm.xlane v3, v2  }
0x83: {  	[tilespmem:s28], [sflag:$0x1] =	stream.indirect_vreg.gather [hbm4b:s5+s3], $0x80, v4, vm0, $0xb8;
	[tilespmem:$0x10080] =	vst v63  }
0x84: {  	v3 =	vadd.s32 v1, v3  }
0x85: {  	[tilespmem:s29], [sflag:$0x1] =	stream.indirect_vreg.gather [hbm4b:s6+s3], $0x80, v4, vm0, $0xb8;
	[tilespmem:$0x10080] =	vst v63  }
0x86: {  	_ = 	snop  }
0x87: {  	[tilespmem:s30], [sflag:$0x1] =	stream.indirect_vreg.gather [hbm4b:s7+s3], $0x80, v4, vm0, $0xb8;
	[tilespmem:$0x10080] =	vst v63  }
0x88: {  	_ = 	snop  }
0x89: {  	[tilespmem:s31], [sflag:$0x1] =	stream.indirect_vreg.gather [hbm4b:s1+s3], $0x80, v3, vm0, $0xb8;
	[tilespmem:$0x10080] =	vst v63  }
0x8a: {  	_ = 	snop  }
0x8b: {  	[tilespmem:s2], [sflag:$0x1] =	stream.indirect_vreg.gather [hbm4b:s5+s3], $0x80, v3, vm0, $0xb8;
	[tilespmem:$0x10080] =	vst v63  }
0x8c: {  	_ = 	snop  }
0x8d: {  	[tilespmem:s4], [sflag:$0x1] =	stream.indirect_vreg.gather [hbm4b:s6+s3], $0x80, v3, vm0, $0xb8;
	[tilespmem:$0x10080] =	vst v63  }
0x8e: {  	_ = 	snop  }
0x8f: {  	[tilespmem:s11], [sflag:$0x1] =	stream.indirect_vreg.gather [hbm4b:s7+s3], $0x80, v3, vm0, $0xb8;
	[tilespmem:$0x10080] =	vst v63  }
0x90: {  	_ =	swait.ge [sflag:s12], $0x4000  }
0x91: {  	[sflag:s12] =	ssyncset.done $0x0  }
0x92: {  	s2 =	rddreg [dreg:$0x6];
	[sflag:s12] =	ssyncadd.s32 $0xFFFFC000  }
0x93: {  	[hbm4b:s2+s3] =	stream.linear.scatter [tilespmem:s13], [sflag:$0x3], $0x4000, $0x38;
	[tilespmem:$0x10080] =	vst v63  }
0x94: {  	_ =	swait.ge [sflag:s24], $0x4000  }
0x95: {  	[sflag:s24] =	ssyncset.done $0x0  }
0x96: {  	[sflag:s24] =	ssyncadd.s32 $0xFFFFC000  }
0x97: {  	v3 =	vld [tilespmem:$0x50];
	_ =	sdelay $0x4  }
0x98: {  	v61 =	vshll.u32 v3, $0x3  }
0x99: {  	v3 =	vand.u32 $0x7, v3;
	v4 =	vand.u32 $0xFFFFFFC0, v61  }
0x9a: {  	v3 =	vor.u32 v3, v4  }
0x9b: {  	v4 =	vperm.xlane v3, v0;
	_ =	sdelay $0x1  }
0x9c: {  	v4 =	vadd.s32 v1, v4;
	_ =	sdelay $0x4  }
0x9d: {  	[tilespmem:s26], [sflag:$0x2] =	stream.indirect_vreg.gather [hbm4b:s1+s3], $0x80, v4, vm0, $0xb8;
	[tilespmem:$0x10080] =	vst v63  }
0x9e: {  	v3 =	vperm.xlane v3, v2  }
0x9f: {  	[tilespmem:s14], [sflag:$0x2] =	stream.indirect_vreg.gather [hbm4b:s5+s3], $0x80, v4, vm0, $0xb8;
	[tilespmem:$0x10080] =	vst v63  }
0xa0: {  	v3 =	vadd.s32 v1, v3  }
0xa1: {  	[tilespmem:s15], [sflag:$0x2] =	stream.indirect_vreg.gather [hbm4b:s6+s3], $0x80, v4, vm0, $0xb8;
	[tilespmem:$0x10080] =	vst v63  }
0xa2: {  	_ = 	snop  }
0xa3: {  	[tilespmem:s16], [sflag:$0x2] =	stream.indirect_vreg.gather [hbm4b:s7+s3], $0x80, v4, vm0, $0xb8;
	[tilespmem:$0x10080] =	vst v63  }
0xa4: {  	_ = 	snop  }
0xa5: {  	[tilespmem:s17], [sflag:$0x2] =	stream.indirect_vreg.gather [hbm4b:s1+s3], $0x80, v3, vm0, $0xb8;
	[tilespmem:$0x10080] =	vst v63  }
0xa6: {  	_ = 	snop  }
0xa7: {  	[tilespmem:s9], [sflag:$0x2] =	stream.indirect_vreg.gather [hbm4b:s5+s3], $0x80, v3, vm0, $0xb8;
	[tilespmem:$0x10080] =	vst v63  }
0xa8: {  	_ = 	snop  }
0xa9: {  	[tilespmem:s19], [sflag:$0x2] =	stream.indirect_vreg.gather [hbm4b:s6+s3], $0x80, v3, vm0, $0xb8;
	[tilespmem:$0x10080] =	vst v63  }
0xaa: {  	_ = 	snop  }
0xab: {  	[tilespmem:s20], [sflag:$0x2] =	stream.indirect_vreg.gather [hbm4b:s7+s3], $0x80, v3, vm0, $0xb8;
	[tilespmem:$0x10080] =	vst v63  }
0xac: {  	_ =	swait.ge [sflag:s22], $0x4000  }
0xad: {  	[sflag:s22] =	ssyncset.done $0x0  }
0xae: {  	s2 =	rddreg [dreg:$0x7];
	[sflag:s22] =	ssyncadd.s32 $0xFFFFC000  }
0xaf: {  	[hbm4b:s2+s3] =	stream.linear.scatter [tilespmem:s0], [sflag:$0x4], $0x4000, $0x38;
	[tilespmem:$0x10080] =	vst v63  }
0xb0: {  	_ =	swait.ge [sflag:s23], $0x4000  }
0xb1: {  	[sflag:s23] =	ssyncset.done $0x0  }
0xb2: {  	[sflag:s23] =	ssyncadd.s32 $0xFFFFC000  }
0xb3: {  	v3 =	vld [tilespmem:$0x60];
	_ =	sdelay $0x4  }
0xb4: {  	v62 =	vshll.u32 v3, $0x3  }
0xb5: {  	v3 =	vand.u32 $0x7, v3;
	v4 =	vand.u32 $0xFFFFFFC0, v62  }
0xb6: {  	v3 =	vor.u32 v3, v4  }
0xb7: {  	v4 =	vperm.xlane v3, v0;
	_ =	sdelay $0x1  }
0xb8: {  	v4 =	vadd.s32 v1, v4;
	_ =	sdelay $0x4  }
0xb9: {  	[tilespmem:s13], [sflag:$0x1] =	stream.indirect_vreg.gather [hbm4b:s1+s3], $0x80, v4, vm0, $0xb8;
	[tilespmem:$0x10080] =	vst v63  }
0xba: {  	v3 =	vperm.xlane v3, v2  }
0xbb: {  	[tilespmem:s21], [sflag:$0x1] =	stream.indirect_vreg.gather [hbm4b:s5+s3], $0x80, v4, vm0, $0xb8;
	[tilespmem:$0x10080] =	vst v63  }
0xbc: {  	s25 =	simm.s32 $0x9080;
	v3 =	vadd.s32 v1, v3  }
0xbd: {  	[tilespmem:s25], [sflag:$0x1] =	stream.indirect_vreg.gather [hbm4b:s6+s3], $0x80, v4, vm0, $0xb8;
	[tilespmem:$0x10080] =	vst v63  }
0xbe: {  	_ = 	snop  }
0xbf: {  	[tilespmem:s10], [sflag:$0x1] =	stream.indirect_vreg.gather [hbm4b:s7+s3], $0x80, v4, vm0, $0xb8;
	[tilespmem:$0x10080] =	vst v63  }
0xc0: {  	s25 =	simm.s32 $0xA080  }
0xc1: {  	[tilespmem:s25], [sflag:$0x1] =	stream.indirect_vreg.gather [hbm4b:s1+s3], $0x80, v3, vm0, $0xb8;
	[tilespmem:$0x10080] =	vst v63  }
0xc2: {  	s25 =	simm.s32 $0xA880  }
0xc3: {  	[tilespmem:s25], [sflag:$0x1] =	stream.indirect_vreg.gather [hbm4b:s5+s3], $0x80, v3, vm0, $0xb8;
	[tilespmem:$0x10080] =	vst v63  }
0xc4: {  	s25 =	simm.s32 $0xB080  }
0xc5: {  	[tilespmem:s25], [sflag:$0x1] =	stream.indirect_vreg.gather [hbm4b:s6+s3], $0x80, v3, vm0, $0xb8;
	[tilespmem:$0x10080] =	vst v63  }
0xc6: {  	s25 =	simm.s32 $0xB880  }
0xc7: {  	[tilespmem:s25], [sflag:$0x1] =	stream.indirect_vreg.gather [hbm4b:s7+s3], $0x80, v3, vm0, $0xb8;
	[tilespmem:$0x10080] =	vst v63  }
0xc8: {  	_ =	swait.ge [sflag:s12], $0x4000  }
0xc9: {  	[sflag:s12] =	ssyncset.done $0x0  }
0xca: {  	s2 =	rddreg [dreg:$0x8];
	[sflag:s12] =	ssyncadd.s32 $0xFFFFC000  }
0xcb: {  	[hbm4b:s2+s3] =	stream.linear.scatter [tilespmem:s18], [sflag:$0x3], $0x4000, $0x38;
	[tilespmem:$0x10080] =	vst v63  }
0xcc: {  	_ =	swait.ge [sflag:s24], $0x4000  }
0xcd: {  	[sflag:s24] =	ssyncset.done $0x0  }
0xce: {  	[sflag:s24] =	ssyncadd.s32 $0xFFFFC000  }
0xcf: {  	v3 =	vld [tilespmem:$0x70];
	_ =	sdelay $0x4  }
0xd0: {  	v63 =	vshll.u32 v3, $0x3  }
0xd1: {  	v3 =	vand.u32 $0x7, v3;
	v4 =	vand.u32 $0xFFFFFFC0, v63  }
0xd2: {  	v3 =	vor.u32 v3, v4  }
0xd3: {  	v4 =	vperm.xlane v3, v0;
	_ =	sdelay $0x1  }
0xd4: {  	v4 =	vadd.s32 v1, v4;
	_ =	sdelay $0x4  }
0xd5: {  	[tilespmem:s0], [sflag:$0x2] =	stream.indirect_vreg.gather [hbm4b:s1+s3], $0x80, v4, vm0, $0xb8;
	[tilespmem:$0x10080] =	vst v63  }
0xd6: {  	s25 =	simm.s32 $0xC880;
	v3 =	vperm.xlane v3, v2  }
0xd7: {  	[tilespmem:s25], [sflag:$0x2] =	stream.indirect_vreg.gather [hbm4b:s5+s3], $0x80, v4, vm0, $0xb8;
	[tilespmem:$0x10080] =	vst v63  }
0xd8: {  	v3 =	vadd.s32 v1, v3;
	s25 =	simm.s32 $0xD080  }
0xd9: {  	[tilespmem:s25], [sflag:$0x2] =	stream.indirect_vreg.gather [hbm4b:s6+s3], $0x80, v4, vm0, $0xb8;
	[tilespmem:$0x10080] =	vst v63  }
0xda: {  	s25 =	simm.s32 $0xD880  }
0xdb: {  	[tilespmem:s25], [sflag:$0x2] =	stream.indirect_vreg.gather [hbm4b:s7+s3], $0x80, v4, vm0, $0xb8;
	[tilespmem:$0x10080] =	vst v63  }
0xdc: {  	s25 =	simm.s32 $0xE080  }
0xdd: {  	[tilespmem:s25], [sflag:$0x2] =	stream.indirect_vreg.gather [hbm4b:s1+s3], $0x80, v3, vm0, $0xb8;
	[tilespmem:$0x10080] =	vst v63  }
0xde: {  	s25 =	simm.s32 $0xE880  }
0xdf: {  	[tilespmem:s25], [sflag:$0x2] =	stream.indirect_vreg.gather [hbm4b:s5+s3], $0x80, v3, vm0, $0xb8;
	[tilespmem:$0x10080] =	vst v63  }
0xe0: {  	s25 =	simm.s32 $0xF080  }
0xe1: {  	[tilespmem:s25], [sflag:$0x2] =	stream.indirect_vreg.gather [hbm4b:s6+s3], $0x80, v3, vm0, $0xb8;
	[tilespmem:$0x10080] =	vst v63  }
0xe2: {  	s25 =	simm.s32 $0xF880  }
0xe3: {  	[tilespmem:s25], [sflag:$0x2] =	stream.indirect_vreg.gather [hbm4b:s7+s3], $0x80, v3, vm0, $0xb8;
	[tilespmem:$0x10080] =	vst v63  }
0xe4: {  	_ =	swait.ge [sflag:s22], $0x4000  }
0xe5: {  	[sflag:s22] =	ssyncset.done $0x0  }
0xe6: {  	s2 =	rddreg [dreg:$0x9];
	[sflag:s22] =	ssyncadd.s32 $0xFFFFC000  }
0xe7: {  	[hbm4b:s2+s3] =	stream.linear.scatter [tilespmem:s26], [sflag:$0x4], $0x4000, $0x38;
	[tilespmem:$0x10080] =	vst v63  }
0xe8: {  	_ =	swait.ge [sflag:s12], $0x4000  }
0xe9: {  	[sflag:s12] =	ssyncset.done $0x0  }
0xea: {  	s2 =	rddreg [dreg:$0xa];
	[sflag:s12] =	ssyncadd.s32 $0xFFFFC000  }
0xeb: {  	[hbm4b:s2+s3] =	stream.linear.scatter [tilespmem:s13], [sflag:$0x3], $0x4000, $0x38;
	[tilespmem:$0x10080] =	vst v63  }
0xec: {  	_ =	swait.ge [sflag:s22], $0x4000  }
0xed: {  	[sflag:s22] =	ssyncset.done $0x0  }
0xee: {  	s2 =	rddreg [dreg:$0xb];
	[sflag:s22] =	ssyncadd.s32 $0xFFFFC000  }
0xef: {  	[hbm4b:s2+s3] =	stream.linear.scatter [tilespmem:s0], [sflag:$0x4], $0x4000, $0x38;
	[tilespmem:$0x10080] =	vst v63  }
0xf0: {  	_ =	swait.ge [sflag:s23], $0x4000  }
0xf1: {  	[sflag:s23] =	ssyncset.done $0x0  }
0xf2: {  	[sflag:s23] =	ssyncadd.s32 $0xFFFFC000  }
0xf3: {  	_ =	swait.ge [sflag:s24], $0x4000  }
0xf4: {  	[sflag:s24] =	ssyncset.done $0x0  }
0xf5: {  	[sflag:s24] =	ssyncadd.s32 $0xFFFFC000  }
0xf6: {  	p0 =	sne.s32 s8, $0x1;
	_ =	swait.ge [sflag:s23], $0x4000  }
.Ltmp0:
0xf7: {  	[sflag:s23] =	ssyncset.done $0x0;
	(pc) =	sbr.rel @p0 .LBB2_1-.Ltmp0, $4  }
0xf8: {  	[sflag:s23] =	ssyncadd.s32 $0xFFFFC000  }
0xf9: {  	_ =	swait.ge [sflag:s24], $0x4000  }
0xfa: {  	[sflag:s24] =	ssyncset.done $0x0  }
0xfb: {  	s8 =	sadd.s32 $0xFFFFFFFF, s8;
	[sflag:s24] =	ssyncadd.s32 $0xFFFFC000  }
0xfc: {  	_ =	sfence.sel $0x180000  }
0xfd: {  	[bflag:$0x0] =	sbarrier.arrive $0xFFFF  }
0xfe: {  	_ =	strace $0x90000047  }
0xff: {  	s0 =	stileid.u32;
	[bflag:$0x2] =	sbarrier.arrive $0xFFFF  }
0x100: {  	p0 =	sne.s32 s0, $0x0;
	s0 =	rddreg [dreg:$0x3]  }
0x101: {  	s0 =	sadd.s32 @!p0 $0x100000, s0  }
0x102: {  	[sflag:s0] =	ssyncadd.tile.s32 @!p0 $0x1;
	_ =	shalt  }
.Lfunc_end2:
_tile_overlayer_lowered:
.L_overlay_start_2:
0x103: {  	(tag) =	ssettag $0x2  }
0x104: {  	s0 =	rddreg [dreg:$0x0];
	s2 =	stileid.u32  }
0x105: {  	s1 =	rddreg [dreg:$0x1];
	p0 =	sne.s32 s2, $0x0  }
0x106: {  	s3 =	rddreg [dreg:$0x2];
	[bflag:$0x3] =	sbarrier.arrive $0xFFFF;
	s2 =	simm.s32 @!p0 $0x1C05  }
0x107: {  	[timem:s3], [sflag:s2] =	dma.local @!p0 [hbm:s0], s1  }
0x108: {  	s0 =	simm.s32 @!p0 $0x5  }
0x109: {  	_ =	swait.ge @!p0 [sflag:s0], s1  }
0x10a: {  	s1 =	ssub.s32 @!p0 $0x0, s1;
	[sflag:s0] =	ssyncset.done @!p0 $0x0  }
0x10b: {  	[sflag:s0] =	ssyncadd.s32 @!p0 s1  }
0x10c: {  	[bflag:$0x3] =	sbarrier.arrive $0xFFFF  }
0x10d: {  	_ =	shalt  }

</sc_bundles>
